<compile_context>
chip_gen: v7x
topology: tpu7x:2x2x1
jax: 0.10.2.dev20260603
libtpu: 0.0.44.dev20260713+nightly
codegen_flags: <defaults>
</compile_context>

<pallas_src>
import functools

import jax
import jax.numpy as jnp
from jax import lax
from jax.experimental import pallas as pl
from jax.experimental.pallas import tpu as pltpu
from jax.experimental.pallas import tpu_sc as plsc

_NC = 2
_NS = 16
_LANE = 128


def _sc_plane_gather(tab3, tail, idxT, nf, v, d, b):
    nplane = nf * d
    nw = _NC * _NS
    ppw = nplane // nw
    cb = 4096
    nchunk = b // cb
    vmain = (v // _LANE) * _LANE
    vtail = v - vmain
    splits = (98 * _LANE,) * 7 + (vmain - 7 * 98 * _LANE,)

    mesh = plsc.VectorSubcoreMesh(core_axis_name="c", subcore_axis_name="s")

    @functools.partial(
        pl.kernel,
        out_type=jax.ShapeDtypeStruct((nplane, b), jnp.float32),
        mesh=mesh,
        scratch_types=[
            pltpu.VMEM((vmain + _LANE,), jnp.float32),
            pltpu.VMEM((b,), jnp.int32),
            pltpu.VMEM((2, cb), jnp.float32),
            pltpu.SemaphoreType.DMA,
            pltpu.SemaphoreType.DMA,
        ],
        compiler_params=pltpu.CompilerParams(
            use_tc_tiling_on_sc=True, needs_layout_passes=False),
    )
    def plane_gather(tab3_hbm, tail_hbm, idxT_hbm, out_hbm,
                     plane_v, idx_v, val_v, psem, osem):
        wid = lax.axis_index("s") * _NC + lax.axis_index("c")

        def task(t, carry):
            p = wid * ppw + t
            f = p // d
            s = p // 8
            r = p % 8
            descs = []
            off = 0
            for ln in splits:
                descs.append(pltpu.async_copy(
                    tab3_hbm.at[s, r, pl.ds(off, ln)],
                    plane_v.at[pl.ds(off, ln)], psem))
                off += ln
            tw = (p * vtail) // _LANE * _LANE
            toff = p * vtail - tw
            descs.append(pltpu.async_copy(
                tail_hbm.at[pl.ds(tw, _LANE)],
                plane_v.at[pl.ds(vmain, _LANE)], psem))

            @pl.when(jnp.logical_or(t == 0, p % d == 0))
            def _():
                pltpu.sync_copy(idxT_hbm.at[f], idx_v)

            for dsc in descs:
                dsc.wait()
            lo = plane_v[pl.ds(vmain + toff, 16)]
            hi = plane_v[pl.ds(vmain + toff + 16, 16)]
            plane_v[pl.ds(vmain, 16)] = lo
            plane_v[pl.ds(vmain + 16, 16)] = hi

            def chunk(ci, c2):
                buf = ci % 2

                @plsc.parallel_loop(0, cb // 16, 1, unroll=8)
                def grp(gi):
                    iv = idx_v[pl.ds(ci * cb + gi * 16, 16)]
                    val_v[buf, pl.ds(gi * 16, 16)] = plsc.load_gather(
                        plane_v, [iv])

                @pl.when(ci >= 2)
                def _():
                    pltpu.make_async_copy(
                        val_v.at[buf], out_hbm.at[p, pl.ds(0, cb)],
                        osem).wait()
                pltpu.async_copy(val_v.at[buf],
                                 out_hbm.at[p, pl.ds(ci * cb, cb)], osem)
                return c2

            lax.fori_loop(0, nchunk, chunk, 0)
            for _ in range(2):
                pltpu.make_async_copy(
                    val_v.at[0], out_hbm.at[p, pl.ds(0, cb)], osem).wait()
            return carry

        lax.fori_loop(0, ppw, task, 0)

    return plane_gather(tab3, tail, idxT)


def _tc_dense_t(xT, wcT, b_cont, ln_g, ln_b, discT, wtT, wrT, b_final):
    cd, b = xT.shape
    d = wcT.shape[0]
    nfd = wrT.shape[1]
    nb = 2048
    grid = (b // nb,)

    def body(x_ref, wc, bc, g, bt, dref, wt, wr, bf, o_ref):
        h = jnp.dot(wc[...], x_ref[...], preferred_element_type=jnp.float32)
        h = h + bc[...]
        mu = jnp.mean(h, axis=0, keepdims=True)
        var = jnp.mean((h - mu) ** 2, axis=0, keepdims=True)
        hn = (h - mu) * lax.rsqrt(var + 1e-5) * g[...] + bt[...]
        cont = 0.5 * hn * (1.0 + lax.erf(hn * 0.7071067811865476))
        acc = jnp.dot(wt[...], cont, preferred_element_type=jnp.float32)
        acc = acc + jnp.dot(wr[...], dref[...],
                            preferred_element_type=jnp.float32)
        o_ref[...] = acc + bf[...]

    return pl.pallas_call(
        body,
        grid=grid,
        in_specs=[
            pl.BlockSpec((cd, nb), lambda i: (0, i)),
            pl.BlockSpec((d, cd), lambda i: (0, 0)),
            pl.BlockSpec((d, 1), lambda i: (0, 0)),
            pl.BlockSpec((d, 1), lambda i: (0, 0)),
            pl.BlockSpec((d, 1), lambda i: (0, 0)),
            pl.BlockSpec((nfd, nb), lambda i: (0, i)),
            pl.BlockSpec((d, d), lambda i: (0, 0)),
            pl.BlockSpec((d, nfd), lambda i: (0, 0)),
            pl.BlockSpec((d, 1), lambda i: (0, 0)),
        ],
        out_specs=pl.BlockSpec((d, nb), lambda i: (0, i)),
        out_shape=jax.ShapeDtypeStruct((d, b), jnp.float32),
        compiler_params=pltpu.CompilerParams(
            dimension_semantics=("arbitrary",),
        ),
    )(xT, wcT, b_cont, ln_g, ln_b, discT, wtT, wrT, b_final)


def kernel(continuous_actions, discrete_actions, W_cont, b_cont, ln_g, ln_b,
           tables, W_final, b_final):
    b, cd = continuous_actions.shape
    nf = discrete_actions.shape[1]
    v, d = tables.shape[1], tables.shape[2]
    nplane = nf * d
    vmain = (v // _LANE) * _LANE

    tab_t = jnp.transpose(tables, (0, 2, 1))
    tab3 = tab_t.reshape(nf * 4, 8, v)
    tail = tab_t.reshape(nplane, v)[:, vmain:].reshape(-1)
    idxT = discrete_actions.T.astype(jnp.int32)

    discT = _sc_plane_gather(tab3, tail, idxT, nf, v, d, b)

    wfT = W_final.T
    outT = _tc_dense_t(
        continuous_actions.T,
        W_cont.T,
        b_cont.reshape(d, 1),
        ln_g.reshape(d, 1),
        ln_b.reshape(d, 1),
        discT,
        wfT[:, :d],
        wfT[:, d:],
        b_final.reshape(d, 1),
    )
    return outT.T

# --- scband reference (transcript-rebuilt; emitter-appended) ---
"""Pipeline reference for scband-action-embedding-15908558865370 (READ-ONLY COPY).

The authoritative reference and input builder live on the scoring server;
editing this copy changes nothing except your own understanding.
"""

import jax, jax.numpy as jnp
import numpy as np

B = 16384
CD = 8
D = 32
NF = 26
V = 100000


def setup_inputs(seed: int = 0) -> dict:
    key = jax.random.key(seed)
    ks = jax.random.split(key, 8)
    continuous_actions = jax.random.normal(ks[0], (B, CD), dtype=jnp.float32)
    discrete_actions = jax.random.randint(ks[1], (B, NF), 0, V)
    W_cont = jax.random.normal(ks[2], (CD, D), dtype=jnp.float32) * (1.0 / np.sqrt(CD))
    b_cont = jnp.zeros((D,), dtype=jnp.float32)
    ln_g = jnp.ones((D,), dtype=jnp.float32)
    ln_b = jnp.zeros((D,), dtype=jnp.float32)
    tables = jax.random.normal(ks[3], (NF, V, D), dtype=jnp.float32)
    W_final = jax.random.normal(ks[4], (D + NF * D, D), dtype=jnp.float32) * (1.0 / np.sqrt(D + NF * D))
    b_final = jnp.zeros((D,), dtype=jnp.float32)
    return {
        'continuous_actions': continuous_actions,
        'discrete_actions': discrete_actions,
        'W_cont': W_cont,
        'b_cont': b_cont,
        'ln_g': ln_g,
        'ln_b': ln_b,
        'tables': tables,
        'W_final': W_final,
        'b_final': b_final,
    }


def reference(continuous_actions, discrete_actions, W_cont, b_cont, ln_g, ln_b, tables, W_final, b_final):
    # continuous branch: Linear -> LayerNorm -> GELU (exact erf, like torch default)
    cont = continuous_actions @ W_cont + b_cont
    mu = jnp.mean(cont, axis=-1, keepdims=True)
    var = jnp.var(cont, axis=-1, keepdims=True)
    cont = (cont - mu) / jnp.sqrt(var + 1e-5) * ln_g + ln_b
    cont = jax.nn.gelu(cont, approximate=False)
    # discrete branch: one embedding lookup per field (SparseCore gather)
    nf = tables.shape[0]
    disc = tables[jnp.arange(nf)[None, :], discrete_actions]  # [B, NF, D]
    b = disc.shape[0]
    combined = jnp.concatenate([cont, disc.reshape(b, -1)], axis=-1)
    return combined @ W_final + b_final

if __name__ == "__main__":
    import jax
    _d = setup_inputs()
    print(jax.jit(kernel)(*tuple(_d.values())))

</pallas_src>

<mosaic_0001>
#map = affine_map<(d0, d1) -> (0, 0, 0)>
#map1 = affine_map<(d0, d1) -> (0)>
#map2 = affine_map<(d0, d1) -> (0, 0)>
module attributes {stable_mosaic.version = 14 : i64} {
  func.func @plane_gather(%arg0: i32, %arg1: i32, %arg2: memref<104x8x100000xf32, #tpu.memory_space<hbm>>, %arg3: memref<26624xf32, #tpu.memory_space<hbm>>, %arg4: memref<26x16384xi32, #tpu.memory_space<hbm>>, %arg5: memref<832x16384xf32, #tpu.memory_space<hbm>>, %arg6: memref<100096xf32, #tpu.memory_space<vmem>>, %arg7: memref<16384xi32, #tpu.memory_space<vmem>>, %arg8: memref<2x4096xf32, #tpu.memory_space<vmem>>, %arg9: memref<!tpu.dma_semaphore, #tpu.memory_space<semaphore_mem>>, %arg10: memref<!tpu.dma_semaphore, #tpu.memory_space<semaphore_mem>>) attributes {dimension_semantics = [#tpu.dimension_semantics<core_parallel>, #tpu.dimension_semantics<subcore_parallel>], iteration_bounds = array<i64: 2, 16>, scalar_prefetch = 0 : i64, scratch_operands = 5 : i64, tpu.core_type = #tpu.core_type<sc_vector_subcore>, window_params = [{transform_indices = #map}, {transform_indices = #map1}, {transform_indices = #map2}, {transform_indices = #map2}]} {
    %mul3A = arith.constant 2 : i32
    %mul3A_0 = arith.muli %arg1, %mul3A : i32
    %add3A = arith.addi %mul3A_0, %arg0 : i32
    %scan3A = arith.constant 0 : i32
    %scan3A_1 = arith.constant 0 : i32
    %scan3A_2 = arith.constant 26 : i32
    %scan3A_3 = arith.addi %scan3A_1, %scan3A_2 : i32
    %scan3A_4 = arith.constant 1 : i32
    scf.for %scan3A_6 = %scan3A_1 to %scan3A_3 step %scan3A_4  : i32 {
      %mul3A_7 = arith.constant 26 : i32
      %mul3A_8 = arith.muli %add3A, %mul3A_7 : i32
      %add3A_9 = arith.addi %mul3A_8, %scan3A_6 : i32
      %jit3A = arith.constant 32 : i32
      %div3A = arith.divsi %add3A_9, %jit3A : i32
      %sign3A = arith.constant 0 : i32
      %sign3A_10 = arith.cmpi sgt, %add3A_9, %sign3A : i32
      %sign3A_11 = arith.extui %sign3A_10 : i1 to i32
      %sign3A_12 = arith.constant 0 : i32
      %sign3A_13 = arith.cmpi slt, %add3A_9, %sign3A_12 : i32
      %sign3A_14 = arith.extui %sign3A_13 : i1 to i32
      %sign3A_15 = arith.subi %sign3A_11, %sign3A_14 : i32
      %sign3A_16 = arith.constant 0 : i32
      %sign3A_17 = arith.cmpi sgt, %jit3A, %sign3A_16 : i32
      %sign3A_18 = arith.extui %sign3A_17 : i1 to i32
      %sign3A_19 = arith.constant 0 : i32
      %sign3A_20 = arith.cmpi slt, %jit3A, %sign3A_19 : i32
      %sign3A_21 = arith.extui %sign3A_20 : i1 to i32
      %sign3A_22 = arith.subi %sign3A_18, %sign3A_21 : i32
      %ne3A = arith.cmpi ne, %sign3A_15, %sign3A_22 : i32
      %rem3A = arith.remsi %add3A_9, %jit3A : i32
      %ne3A_23 = arith.constant 0 : i32
      %ne3A_24 = arith.cmpi ne, %rem3A, %ne3A_23 : i32
      %and3A = arith.andi %ne3A, %ne3A_24 : i1
      %sub3A = arith.constant 1 : i32
      %sub3A_25 = arith.subi %div3A, %sub3A : i32
      %select_n3A = arith.select %and3A, %sub3A_25, %div3A : i32
      %jit3A_26 = arith.constant 8 : i32
      %div3A_27 = arith.divsi %add3A_9, %jit3A_26 : i32
      %sign3A_28 = arith.constant 0 : i32
      %sign3A_29 = arith.cmpi sgt, %add3A_9, %sign3A_28 : i32
      %sign3A_30 = arith.extui %sign3A_29 : i1 to i32
      %sign3A_31 = arith.constant 0 : i32
      %sign3A_32 = arith.cmpi slt, %add3A_9, %sign3A_31 : i32
      %sign3A_33 = arith.extui %sign3A_32 : i1 to i32
      %sign3A_34 = arith.subi %sign3A_30, %sign3A_33 : i32
      %sign3A_35 = arith.constant 0 : i32
      %sign3A_36 = arith.cmpi sgt, %jit3A_26, %sign3A_35 : i32
      %sign3A_37 = arith.extui %sign3A_36 : i1 to i32
      %sign3A_38 = arith.constant 0 : i32
      %sign3A_39 = arith.cmpi slt, %jit3A_26, %sign3A_38 : i32
      %sign3A_40 = arith.extui %sign3A_39 : i1 to i32
      %sign3A_41 = arith.subi %sign3A_37, %sign3A_40 : i32
      %ne3A_42 = arith.cmpi ne, %sign3A_34, %sign3A_41 : i32
      %rem3A_43 = arith.remsi %add3A_9, %jit3A_26 : i32
      %ne3A_44 = arith.constant 0 : i32
      %ne3A_45 = arith.cmpi ne, %rem3A_43, %ne3A_44 : i32
      %and3A_46 = arith.andi %ne3A_42, %ne3A_45 : i1
      %sub3A_47 = arith.constant 1 : i32
      %sub3A_48 = arith.subi %div3A_27, %sub3A_47 : i32
      %select_n3A_49 = arith.select %and3A_46, %sub3A_48, %div3A_27 : i32
      %jit3A_50 = arith.constant 8 : i32
      %eq3A = arith.constant 0 : i32
      %eq3A_51 = arith.cmpi eq, %jit3A_50, %eq3A : i32
      %jit3A_52 = arith.constant 1 : i32
      %select_n3A_53 = arith.select %eq3A_51, %jit3A_52, %jit3A_50 : i32
      %rem3A_54 = arith.remsi %add3A_9, %select_n3A_53 : i32
      %ne3A_55 = arith.constant 0 : i32
      %ne3A_56 = arith.cmpi ne, %rem3A_54, %ne3A_55 : i32
      %lt3A = arith.constant 0 : i32
      %lt3A_57 = arith.cmpi slt, %rem3A_54, %lt3A : i32
      %lt3A_58 = arith.constant 0 : i32
      %lt3A_59 = arith.cmpi slt, %select_n3A_53, %lt3A_58 : i32
      %ne3A_60 = arith.xori %lt3A_57, %lt3A_59 : i1
      %and3A_61 = arith.andi %ne3A_60, %ne3A_56 : i1
      %add3A_62 = arith.addi %rem3A_54, %select_n3A_53 : i32
      %select_n3A_63 = arith.select %and3A_61, %add3A_62, %rem3A_54 : i32
      %dma_start3A = arith.constant 0 : i32
      %dma_start3A_64 = tpu.memref_slice %arg6[%dma_start3A] : memref<100096xf32, #tpu.memory_space<vmem>> -> memref<12544xf32, #tpu.memory_space<vmem>>
      %dma_start3A_65 = arith.constant 0 : i32
      %dma_start3A_66 = tpu.memref_slice %arg2[%select_n3A_49, %select_n3A_63, %dma_start3A_65] : memref<104x8x100000xf32, #tpu.memory_space<hbm>> -> memref<1x1x12544xf32, #tpu.memory_space<hbm>>
      %dma_start3A_67 = tpu.memref_squeeze %dma_start3A_66 : memref<1x1x12544xf32, #tpu.memory_space<hbm>> -> memref<12544xf32, #tpu.memory_space<hbm>>
      %dma_start3A_68 = arith.constant 0 : i32
      %dma_start3A_69 = tpu.memref_slice %arg6[%dma_start3A_68] : memref<100096xf32, #tpu.memory_space<vmem>> -> memref<12544xf32, #tpu.memory_space<vmem>>
      %dma_start3A_70 = arith.constant 0 : i32
      %dma_start3A_71 = tpu.memref_slice %arg2[%select_n3A_49, %select_n3A_63, %dma_start3A_70] : memref<104x8x100000xf32, #tpu.memory_space<hbm>> -> memref<1x1x12544xf32, #tpu.memory_space<hbm>>
      %dma_start3A_72 = tpu.memref_squeeze %dma_start3A_71 : memref<1x1x12544xf32, #tpu.memory_space<hbm>> -> memref<12544xf32, #tpu.memory_space<hbm>>
      tpu.enqueue_dma source(%dma_start3A_72 : memref<12544xf32, #tpu.memory_space<hbm>>) target(%dma_start3A_69 : memref<12544xf32, #tpu.memory_space<vmem>>) target_semaphore(%arg9 : memref<!tpu.dma_semaphore, #tpu.memory_space<semaphore_mem>>)
      %dma_start3A_73 = arith.constant 12544 : i32
      %dma_start3A_74 = tpu.memref_slice %arg6[%dma_start3A_73] : memref<100096xf32, #tpu.memory_space<vmem>> -> memref<12544xf32, #tpu.memory_space<vmem>>
      %dma_start3A_75 = arith.constant 12544 : i32
      %dma_start3A_76 = tpu.memref_slice %arg2[%select_n3A_49, %select_n3A_63, %dma_start3A_75] : memref<104x8x100000xf32, #tpu.memory_space<hbm>> -> memref<1x1x12544xf32, #tpu.memory_space<hbm>>
      %dma_start3A_77 = tpu.memref_squeeze %dma_start3A_76 : memref<1x1x12544xf32, #tpu.memory_space<hbm>> -> memref<12544xf32, #tpu.memory_space<hbm>>
      %dma_start3A_78 = arith.constant 12544 : i32
      %dma_start3A_79 = tpu.memref_slice %arg6[%dma_start3A_78] : memref<100096xf32, #tpu.memory_space<vmem>> -> memref<12544xf32, #tpu.memory_space<vmem>>
      %dma_start3A_80 = arith.constant 12544 : i32
      %dma_start3A_81 = tpu.memref_slice %arg2[%select_n3A_49, %select_n3A_63, %dma_start3A_80] : memref<104x8x100000xf32, #tpu.memory_space<hbm>> -> memref<1x1x12544xf32, #tpu.memory_space<hbm>>
      %dma_start3A_82 = tpu.memref_squeeze %dma_start3A_81 : memref<1x1x12544xf32, #tpu.memory_space<hbm>> -> memref<12544xf32, #tpu.memory_space<hbm>>
      tpu.enqueue_dma source(%dma_start3A_82 : memref<12544xf32, #tpu.memory_space<hbm>>) target(%dma_start3A_79 : memref<12544xf32, #tpu.memory_space<vmem>>) target_semaphore(%arg9 : memref<!tpu.dma_semaphore, #tpu.memory_space<semaphore_mem>>)
      %dma_start3A_83 = arith.constant 25088 : i32
      %dma_start3A_84 = tpu.memref_slice %arg6[%dma_start3A_83] : memref<100096xf32, #tpu.memory_space<vmem>> -> memref<12544xf32, #tpu.memory_space<vmem>>
      %dma_start3A_85 = arith.constant 25088 : i32
      %dma_start3A_86 = tpu.memref_slice %arg2[%select_n3A_49, %select_n3A_63, %dma_start3A_85] : memref<104x8x100000xf32, #tpu.memory_space<hbm>> -> memref<1x1x12544xf32, #tpu.memory_space<hbm>>
      %dma_start3A_87 = tpu.memref_squeeze %dma_start3A_86 : memref<1x1x12544xf32, #tpu.memory_space<hbm>> -> memref<12544xf32, #tpu.memory_space<hbm>>
      %dma_start3A_88 = arith.constant 25088 : i32
      %dma_start3A_89 = tpu.memref_slice %arg6[%dma_start3A_88] : memref<100096xf32, #tpu.memory_space<vmem>> -> memref<12544xf32, #tpu.memory_space<vmem>>
      %dma_start3A_90 = arith.constant 25088 : i32
      %dma_start3A_91 = tpu.memref_slice %arg2[%select_n3A_49, %select_n3A_63, %dma_start3A_90] : memref<104x8x100000xf32, #tpu.memory_space<hbm>> -> memref<1x1x12544xf32, #tpu.memory_space<hbm>>
      %dma_start3A_92 = tpu.memref_squeeze %dma_start3A_91 : memref<1x1x12544xf32, #tpu.memory_space<hbm>> -> memref<12544xf32, #tpu.memory_space<hbm>>
      tpu.enqueue_dma source(%dma_start3A_92 : memref<12544xf32, #tpu.memory_space<hbm>>) target(%dma_start3A_89 : memref<12544xf32, #tpu.memory_space<vmem>>) target_semaphore(%arg9 : memref<!tpu.dma_semaphore, #tpu.memory_space<semaphore_mem>>)
      %dma_start3A_93 = arith.constant 37632 : i32
      %dma_start3A_94 = tpu.memref_slice %arg6[%dma_start3A_93] : memref<100096xf32, #tpu.memory_space<vmem>> -> memref<12544xf32, #tpu.memory_space<vmem>>
      %dma_start3A_95 = arith.constant 37632 : i32
      %dma_start3A_96 = tpu.memref_slice %arg2[%select_n3A_49, %select_n3A_63, %dma_start3A_95] : memref<104x8x100000xf32, #tpu.memory_space<hbm>> -> memref<1x1x12544xf32, #tpu.memory_space<hbm>>
      %dma_start3A_97 = tpu.memref_squeeze %dma_start3A_96 : memref<1x1x12544xf32, #tpu.memory_space<hbm>> -> memref<12544xf32, #tpu.memory_space<hbm>>
      %dma_start3A_98 = arith.constant 37632 : i32
      %dma_start3A_99 = tpu.memref_slice %arg6[%dma_start3A_98] : memref<100096xf32, #tpu.memory_space<vmem>> -> memref<12544xf32, #tpu.memory_space<vmem>>
      %dma_start3A_100 = arith.constant 37632 : i32
      %dma_start3A_101 = tpu.memref_slice %arg2[%select_n3A_49, %select_n3A_63, %dma_start3A_100] : memref<104x8x100000xf32, #tpu.memory_space<hbm>> -> memref<1x1x12544xf32, #tpu.memory_space<hbm>>
      %dma_start3A_102 = tpu.memref_squeeze %dma_start3A_101 : memref<1x1x12544xf32, #tpu.memory_space<hbm>> -> memref<12544xf32, #tpu.memory_space<hbm>>
      tpu.enqueue_dma source(%dma_start3A_102 : memref<12544xf32, #tpu.memory_space<hbm>>) target(%dma_start3A_99 : memref<12544xf32, #tpu.memory_space<vmem>>) target_semaphore(%arg9 : memref<!tpu.dma_semaphore, #tpu.memory_space<semaphore_mem>>)
      %dma_start3A_103 = arith.constant 50176 : i32
      %dma_start3A_104 = tpu.memref_slice %arg6[%dma_start3A_103] : memref<100096xf32, #tpu.memory_space<vmem>> -> memref<12544xf32, #tpu.memory_space<vmem>>
      %dma_start3A_105 = arith.constant 50176 : i32
      %dma_start3A_106 = tpu.memref_slice %arg2[%select_n3A_49, %select_n3A_63, %dma_start3A_105] : memref<104x8x100000xf32, #tpu.memory_space<hbm>> -> memref<1x1x12544xf32, #tpu.memory_space<hbm>>
      %dma_start3A_107 = tpu.memref_squeeze %dma_start3A_106 : memref<1x1x12544xf32, #tpu.memory_space<hbm>> -> memref<12544xf32, #tpu.memory_space<hbm>>
      %dma_start3A_108 = arith.constant 50176 : i32
      %dma_start3A_109 = tpu.memref_slice %arg6[%dma_start3A_108] : memref<100096xf32, #tpu.memory_space<vmem>> -> memref<12544xf32, #tpu.memory_space<vmem>>
      %dma_start3A_110 = arith.constant 50176 : i32
      %dma_start3A_111 = tpu.memref_slice %arg2[%select_n3A_49, %select_n3A_63, %dma_start3A_110] : memref<104x8x100000xf32, #tpu.memory_space<hbm>> -> memref<1x1x12544xf32, #tpu.memory_space<hbm>>
      %dma_start3A_112 = tpu.memref_squeeze %dma_start3A_111 : memref<1x1x12544xf32, #tpu.memory_space<hbm>> -> memref<12544xf32, #tpu.memory_space<hbm>>
      tpu.enqueue_dma source(%dma_start3A_112 : memref<12544xf32, #tpu.memory_space<hbm>>) target(%dma_start3A_109 : memref<12544xf32, #tpu.memory_space<vmem>>) target_semaphore(%arg9 : memref<!tpu.dma_semaphore, #tpu.memory_space<semaphore_mem>>)
      %dma_start3A_113 = arith.constant 62720 : i32
      %dma_start3A_114 = tpu.memref_slice %arg6[%dma_start3A_113] : memref<100096xf32, #tpu.memory_space<vmem>> -> memref<12544xf32, #tpu.memory_space<vmem>>
      %dma_start3A_115 = arith.constant 62720 : i32
      %dma_start3A_116 = tpu.memref_slice %arg2[%select_n3A_49, %select_n3A_63, %dma_start3A_115] : memref<104x8x100000xf32, #tpu.memory_space<hbm>> -> memref<1x1x12544xf32, #tpu.memory_space<hbm>>
      %dma_start3A_117 = tpu.memref_squeeze %dma_start3A_116 : memref<1x1x12544xf32, #tpu.memory_space<hbm>> -> memref<12544xf32, #tpu.memory_space<hbm>>
      %dma_start3A_118 = arith.constant 62720 : i32
      %dma_start3A_119 = tpu.memref_slice %arg6[%dma_start3A_118] : memref<100096xf32, #tpu.memory_space<vmem>> -> memref<12544xf32, #tpu.memory_space<vmem>>
      %dma_start3A_120 = arith.constant 62720 : i32
      %dma_start3A_121 = tpu.memref_slice %arg2[%select_n3A_49, %select_n3A_63, %dma_start3A_120] : memref<104x8x100000xf32, #tpu.memory_space<hbm>> -> memref<1x1x12544xf32, #tpu.memory_space<hbm>>
      %dma_start3A_122 = tpu.memref_squeeze %dma_start3A_121 : memref<1x1x12544xf32, #tpu.memory_space<hbm>> -> memref<12544xf32, #tpu.memory_space<hbm>>
      tpu.enqueue_dma source(%dma_start3A_122 : memref<12544xf32, #tpu.memory_space<hbm>>) target(%dma_start3A_119 : memref<12544xf32, #tpu.memory_space<vmem>>) target_semaphore(%arg9 : memref<!tpu.dma_semaphore, #tpu.memory_space<semaphore_mem>>)
      %dma_start3A_123 = arith.constant 75264 : i32
      %dma_start3A_124 = tpu.memref_slice %arg6[%dma_start3A_123] : memref<100096xf32, #tpu.memory_space<vmem>> -> memref<12544xf32, #tpu.memory_space<vmem>>
      %dma_start3A_125 = arith.constant 75264 : i32
      %dma_start3A_126 = tpu.memref_slice %arg2[%select_n3A_49, %select_n3A_63, %dma_start3A_125] : memref<104x8x100000xf32, #tpu.memory_space<hbm>> -> memref<1x1x12544xf32, #tpu.memory_space<hbm>>
      %dma_start3A_127 = tpu.memref_squeeze %dma_start3A_126 : memref<1x1x12544xf32, #tpu.memory_space<hbm>> -> memref<12544xf32, #tpu.memory_space<hbm>>
      %dma_start3A_128 = arith.constant 75264 : i32
      %dma_start3A_129 = tpu.memref_slice %arg6[%dma_start3A_128] : memref<100096xf32, #tpu.memory_space<vmem>> -> memref<12544xf32, #tpu.memory_space<vmem>>
      %dma_start3A_130 = arith.constant 75264 : i32
      %dma_start3A_131 = tpu.memref_slice %arg2[%select_n3A_49, %select_n3A_63, %dma_start3A_130] : memref<104x8x100000xf32, #tpu.memory_space<hbm>> -> memref<1x1x12544xf32, #tpu.memory_space<hbm>>
      %dma_start3A_132 = tpu.memref_squeeze %dma_start3A_131 : memref<1x1x12544xf32, #tpu.memory_space<hbm>> -> memref<12544xf32, #tpu.memory_space<hbm>>
      tpu.enqueue_dma source(%dma_start3A_132 : memref<12544xf32, #tpu.memory_space<hbm>>) target(%dma_start3A_129 : memref<12544xf32, #tpu.memory_space<vmem>>) target_semaphore(%arg9 : memref<!tpu.dma_semaphore, #tpu.memory_space<semaphore_mem>>)
      %dma_start3A_133 = arith.constant 87808 : i32
      %dma_start3A_134 = tpu.memref_slice %arg6[%dma_start3A_133] : memref<100096xf32, #tpu.memory_space<vmem>> -> memref<12160xf32, #tpu.memory_space<vmem>>
      %dma_start3A_135 = arith.constant 87808 : i32
      %dma_start3A_136 = tpu.memref_slice %arg2[%select_n3A_49, %select_n3A_63, %dma_start3A_135] : memref<104x8x100000xf32, #tpu.memory_space<hbm>> -> memref<1x1x12160xf32, #tpu.memory_space<hbm>>
      %dma_start3A_137 = tpu.memref_squeeze %dma_start3A_136 : memref<1x1x12160xf32, #tpu.memory_space<hbm>> -> memref<12160xf32, #tpu.memory_space<hbm>>
      %dma_start3A_138 = arith.constant 87808 : i32
      %dma_start3A_139 = tpu.memref_slice %arg6[%dma_start3A_138] : memref<100096xf32, #tpu.memory_space<vmem>> -> memref<12160xf32, #tpu.memory_space<vmem>>
      %dma_start3A_140 = arith.constant 87808 : i32
      %dma_start3A_141 = tpu.memref_slice %arg2[%select_n3A_49, %select_n3A_63, %dma_start3A_140] : memref<104x8x100000xf32, #tpu.memory_space<hbm>> -> memref<1x1x12160xf32, #tpu.memory_space<hbm>>
      %dma_start3A_142 = tpu.memref_squeeze %dma_start3A_141 : memref<1x1x12160xf32, #tpu.memory_space<hbm>> -> memref<12160xf32, #tpu.memory_space<hbm>>
      tpu.enqueue_dma source(%dma_start3A_142 : memref<12160xf32, #tpu.memory_space<hbm>>) target(%dma_start3A_139 : memref<12160xf32, #tpu.memory_space<vmem>>) target_semaphore(%arg9 : memref<!tpu.dma_semaphore, #tpu.memory_space<semaphore_mem>>)
      %mul3A_143 = arith.constant 32 : i32
      %mul3A_144 = arith.muli %add3A_9, %mul3A_143 : i32
      %jit3A_145 = arith.constant 128 : i32
      %div3A_146 = arith.divsi %mul3A_144, %jit3A_145 : i32
      %sign3A_147 = arith.constant 0 : i32
      %sign3A_148 = arith.cmpi sgt, %mul3A_144, %sign3A_147 : i32
      %sign3A_149 = arith.extui %sign3A_148 : i1 to i32
      %sign3A_150 = arith.constant 0 : i32
      %sign3A_151 = arith.cmpi slt, %mul3A_144, %sign3A_150 : i32
      %sign3A_152 = arith.extui %sign3A_151 : i1 to i32
      %sign3A_153 = arith.subi %sign3A_149, %sign3A_152 : i32
      %sign3A_154 = arith.constant 0 : i32
      %sign3A_155 = arith.cmpi sgt, %jit3A_145, %sign3A_154 : i32
      %sign3A_156 = arith.extui %sign3A_155 : i1 to i32
      %sign3A_157 = arith.constant 0 : i32
      %sign3A_158 = arith.cmpi slt, %jit3A_145, %sign3A_157 : i32
      %sign3A_159 = arith.extui %sign3A_158 : i1 to i32
      %sign3A_160 = arith.subi %sign3A_156, %sign3A_159 : i32
      %ne3A_161 = arith.cmpi ne, %sign3A_153, %sign3A_160 : i32
      %rem3A_162 = arith.remsi %mul3A_144, %jit3A_145 : i32
      %ne3A_163 = arith.constant 0 : i32
      %ne3A_164 = arith.cmpi ne, %rem3A_162, %ne3A_163 : i32
      %and3A_165 = arith.andi %ne3A_161, %ne3A_164 : i1
      %sub3A_166 = arith.constant 1 : i32
      %sub3A_167 = arith.subi %div3A_146, %sub3A_166 : i32
      %select_n3A_168 = arith.select %and3A_165, %sub3A_167, %div3A_146 : i32
      %mul3A_169 = arith.constant 128 : i32
      %mul3A_170 = arith.muli %select_n3A_168, %mul3A_169 : i32
      %mul3A_171 = arith.constant 32 : i32
      %mul3A_172 = arith.muli %add3A_9, %mul3A_171 : i32
      %sub3A_173 = arith.subi %mul3A_172, %mul3A_170 : i32
      %dma_start3A_174 = arith.constant 99968 : i32
      %dma_start3A_175 = tpu.memref_slice %arg6[%dma_start3A_174] : memref<100096xf32, #tpu.memory_space<vmem>> -> memref<128xf32, #tpu.memory_space<vmem>>
      %dma_start3A_176 = tpu.memref_slice %arg3[%mul3A_170] : memref<26624xf32, #tpu.memory_space<hbm>> -> memref<128xf32, #tpu.memory_space<hbm>>
      %dma_start3A_177 = arith.constant 99968 : i32
      %dma_start3A_178 = tpu.memref_slice %arg6[%dma_start3A_177] : memref<100096xf32, #tpu.memory_space<vmem>> -> memref<128xf32, #tpu.memory_space<vmem>>
      %dma_start3A_179 = tpu.memref_slice %arg3[%mul3A_170] : memref<26624xf32, #tpu.memory_space<hbm>> -> memref<128xf32, #tpu.memory_space<hbm>>
      tpu.enqueue_dma source(%dma_start3A_179 : memref<128xf32, #tpu.memory_space<hbm>>) target(%dma_start3A_178 : memref<128xf32, #tpu.memory_space<vmem>>) target_semaphore(%arg9 : memref<!tpu.dma_semaphore, #tpu.memory_space<semaphore_mem>>)
      %eq3A_180 = arith.constant 0 : i32
      %eq3A_181 = arith.cmpi eq, %scan3A_6, %eq3A_180 : i32
      %jit3A_182 = arith.constant 32 : i32
      %eq3A_183 = arith.constant 0 : i32
      %eq3A_184 = arith.cmpi eq, %jit3A_182, %eq3A_183 : i32
      %jit3A_185 = arith.constant 1 : i32
      %select_n3A_186 = arith.select %eq3A_184, %jit3A_185, %jit3A_182 : i32
      %rem3A_187 = arith.remsi %add3A_9, %select_n3A_186 : i32
      %ne3A_188 = arith.constant 0 : i32
      %ne3A_189 = arith.cmpi ne, %rem3A_187, %ne3A_188 : i32
      %lt3A_190 = arith.constant 0 : i32
      %lt3A_191 = arith.cmpi slt, %rem3A_187, %lt3A_190 : i32
      %lt3A_192 = arith.constant 0 : i32
      %lt3A_193 = arith.cmpi slt, %select_n3A_186, %lt3A_192 : i32
      %ne3A_194 = arith.xori %lt3A_191, %lt3A_193 : i1
      %and3A_195 = arith.andi %ne3A_194, %ne3A_189 : i1
      %add3A_196 = arith.addi %rem3A_187, %select_n3A_186 : i32
      %select_n3A_197 = arith.select %and3A_195, %add3A_196, %rem3A_187 : i32
      %eq3A_198 = arith.constant 0 : i32
      %eq3A_199 = arith.cmpi eq, %select_n3A_197, %eq3A_198 : i32
      %or3A = arith.ori %eq3A_181, %eq3A_199 : i1
      %convert_element_type3A = arith.extui %or3A : i1 to i32
      %cond3A = arith.constant 0 : i32
      %cond3A_200 = arith.cmpi ne, %convert_element_type3A, %cond3A : i32
      scf.if %cond3A_200 {
        "tpu.region"() ({
          %run_scoped3A = tpu.sem_alloc : memref<!tpu.dma_semaphore, #tpu.memory_space<semaphore_mem>>
          %dma_start3A_330 = arith.constant 0 : i32
          %dma_start3A_331 = tpu.memref_slice %arg4[%select_n3A, %dma_start3A_330] : memref<26x16384xi32, #tpu.memory_space<hbm>> -> memref<1x16384xi32, #tpu.memory_space<hbm>>
          %dma_start3A_332 = tpu.memref_squeeze %dma_start3A_331 : memref<1x16384xi32, #tpu.memory_space<hbm>> -> memref<16384xi32, #tpu.memory_space<hbm>>
          %dma_start3A_333 = arith.constant 0 : i32
          %dma_start3A_334 = tpu.memref_slice %arg4[%select_n3A, %dma_start3A_333] : memref<26x16384xi32, #tpu.memory_space<hbm>> -> memref<1x16384xi32, #tpu.memory_space<hbm>>
          %dma_start3A_335 = tpu.memref_squeeze %dma_start3A_334 : memref<1x16384xi32, #tpu.memory_space<hbm>> -> memref<16384xi32, #tpu.memory_space<hbm>>
          tpu.enqueue_dma source(%dma_start3A_335 : memref<16384xi32, #tpu.memory_space<hbm>>) target(%arg7 : memref<16384xi32, #tpu.memory_space<vmem>>) target_semaphore(%run_scoped3A : memref<!tpu.dma_semaphore, #tpu.memory_space<semaphore_mem>>)
          %dma_wait3A_336 = arith.constant 0 : i32
          %dma_wait3A_337 = tpu.memref_slice %arg4[%select_n3A, %dma_wait3A_336] : memref<26x16384xi32, #tpu.memory_space<hbm>> -> memref<1x16384xi32, #tpu.memory_space<hbm>>
          %dma_wait3A_338 = tpu.memref_squeeze %dma_wait3A_337 : memref<1x16384xi32, #tpu.memory_space<hbm>> -> memref<16384xi32, #tpu.memory_space<hbm>>
          %dma_wait3A_339 = arith.constant 0 : i32
          %dma_wait3A_340 = tpu.memref_slice %arg4[%select_n3A, %dma_wait3A_339] : memref<26x16384xi32, #tpu.memory_space<hbm>> -> memref<1x16384xi32, #tpu.memory_space<hbm>>
          %dma_wait3A_341 = tpu.memref_squeeze %dma_wait3A_340 : memref<1x16384xi32, #tpu.memory_space<hbm>> -> memref<16384xi32, #tpu.memory_space<hbm>>
          tpu.wait_dma2 semaphore(%run_scoped3A : memref<!tpu.dma_semaphore, #tpu.memory_space<semaphore_mem>>) src(%dma_wait3A_341 : memref<16384xi32, #tpu.memory_space<hbm>>) dst(%arg7 : memref<16384xi32, #tpu.memory_space<vmem>>)
          tpu.yield
        }) : () -> ()
      } else {
      }
      %dma_wait3A = arith.constant 0 : i32
      %dma_wait3A_201 = tpu.memref_slice %arg6[%dma_wait3A] : memref<100096xf32, #tpu.memory_space<vmem>> -> memref<12544xf32, #tpu.memory_space<vmem>>
      %dma_wait3A_202 = arith.constant 0 : i32
      %dma_wait3A_203 = tpu.memref_slice %arg2[%select_n3A_49, %select_n3A_63, %dma_wait3A_202] : memref<104x8x100000xf32, #tpu.memory_space<hbm>> -> memref<1x1x12544xf32, #tpu.memory_space<hbm>>
      %dma_wait3A_204 = tpu.memref_squeeze %dma_wait3A_203 : memref<1x1x12544xf32, #tpu.memory_space<hbm>> -> memref<12544xf32, #tpu.memory_space<hbm>>
      %dma_wait3A_205 = arith.constant 0 : i32
      %dma_wait3A_206 = tpu.memref_slice %arg6[%dma_wait3A_205] : memref<100096xf32, #tpu.memory_space<vmem>> -> memref<12544xf32, #tpu.memory_space<vmem>>
      %dma_wait3A_207 = arith.constant 0 : i32
      %dma_wait3A_208 = tpu.memref_slice %arg2[%select_n3A_49, %select_n3A_63, %dma_wait3A_207] : memref<104x8x100000xf32, #tpu.memory_space<hbm>> -> memref<1x1x12544xf32, #tpu.memory_space<hbm>>
      %dma_wait3A_209 = tpu.memref_squeeze %dma_wait3A_208 : memref<1x1x12544xf32, #tpu.memory_space<hbm>> -> memref<12544xf32, #tpu.memory_space<hbm>>
      tpu.wait_dma2 semaphore(%arg9 : memref<!tpu.dma_semaphore, #tpu.memory_space<semaphore_mem>>) src(%dma_wait3A_209 : memref<12544xf32, #tpu.memory_space<hbm>>) dst(%dma_wait3A_206 : memref<12544xf32, #tpu.memory_space<vmem>>)
      %dma_wait3A_210 = arith.constant 12544 : i32
      %dma_wait3A_211 = tpu.memref_slice %arg6[%dma_wait3A_210] : memref<100096xf32, #tpu.memory_space<vmem>> -> memref<12544xf32, #tpu.memory_space<vmem>>
      %dma_wait3A_212 = arith.constant 12544 : i32
      %dma_wait3A_213 = tpu.memref_slice %arg2[%select_n3A_49, %select_n3A_63, %dma_wait3A_212] : memref<104x8x100000xf32, #tpu.memory_space<hbm>> -> memref<1x1x12544xf32, #tpu.memory_space<hbm>>
      %dma_wait3A_214 = tpu.memref_squeeze %dma_wait3A_213 : memref<1x1x12544xf32, #tpu.memory_space<hbm>> -> memref<12544xf32, #tpu.memory_space<hbm>>
      %dma_wait3A_215 = arith.constant 12544 : i32
      %dma_wait3A_216 = tpu.memref_slice %arg6[%dma_wait3A_215] : memref<100096xf32, #tpu.memory_space<vmem>> -> memref<12544xf32, #tpu.memory_space<vmem>>
      %dma_wait3A_217 = arith.constant 12544 : i32
      %dma_wait3A_218 = tpu.memref_slice %arg2[%select_n3A_49, %select_n3A_63, %dma_wait3A_217] : memref<104x8x100000xf32, #tpu.memory_space<hbm>> -> memref<1x1x12544xf32, #tpu.memory_space<hbm>>
      %dma_wait3A_219 = tpu.memref_squeeze %dma_wait3A_218 : memref<1x1x12544xf32, #tpu.memory_space<hbm>> -> memref<12544xf32, #tpu.memory_space<hbm>>
      tpu.wait_dma2 semaphore(%arg9 : memref<!tpu.dma_semaphore, #tpu.memory_space<semaphore_mem>>) src(%dma_wait3A_219 : memref<12544xf32, #tpu.memory_space<hbm>>) dst(%dma_wait3A_216 : memref<12544xf32, #tpu.memory_space<vmem>>)
      %dma_wait3A_220 = arith.constant 25088 : i32
      %dma_wait3A_221 = tpu.memref_slice %arg6[%dma_wait3A_220] : memref<100096xf32, #tpu.memory_space<vmem>> -> memref<12544xf32, #tpu.memory_space<vmem>>
      %dma_wait3A_222 = arith.constant 25088 : i32
      %dma_wait3A_223 = tpu.memref_slice %arg2[%select_n3A_49, %select_n3A_63, %dma_wait3A_222] : memref<104x8x100000xf32, #tpu.memory_space<hbm>> -> memref<1x1x12544xf32, #tpu.memory_space<hbm>>
      %dma_wait3A_224 = tpu.memref_squeeze %dma_wait3A_223 : memref<1x1x12544xf32, #tpu.memory_space<hbm>> -> memref<12544xf32, #tpu.memory_space<hbm>>
      %dma_wait3A_225 = arith.constant 25088 : i32
      %dma_wait3A_226 = tpu.memref_slice %arg6[%dma_wait3A_225] : memref<100096xf32, #tpu.memory_space<vmem>> -> memref<12544xf32, #tpu.memory_space<vmem>>
      %dma_wait3A_227 = arith.constant 25088 : i32
      %dma_wait3A_228 = tpu.memref_slice %arg2[%select_n3A_49, %select_n3A_63, %dma_wait3A_227] : memref<104x8x100000xf32, #tpu.memory_space<hbm>> -> memref<1x1x12544xf32, #tpu.memory_space<hbm>>
      %dma_wait3A_229 = tpu.memref_squeeze %dma_wait3A_228 : memref<1x1x12544xf32, #tpu.memory_space<hbm>> -> memref<12544xf32, #tpu.memory_space<hbm>>
      tpu.wait_dma2 semaphore(%arg9 : memref<!tpu.dma_semaphore, #tpu.memory_space<semaphore_mem>>) src(%dma_wait3A_229 : memref<12544xf32, #tpu.memory_space<hbm>>) dst(%dma_wait3A_226 : memref<12544xf32, #tpu.memory_space<vmem>>)
      %dma_wait3A_230 = arith.constant 37632 : i32
      %dma_wait3A_231 = tpu.memref_slice %arg6[%dma_wait3A_230] : memref<100096xf32, #tpu.memory_space<vmem>> -> memref<12544xf32, #tpu.memory_space<vmem>>
      %dma_wait3A_232 = arith.constant 37632 : i32
      %dma_wait3A_233 = tpu.memref_slice %arg2[%select_n3A_49, %select_n3A_63, %dma_wait3A_232] : memref<104x8x100000xf32, #tpu.memory_space<hbm>> -> memref<1x1x12544xf32, #tpu.memory_space<hbm>>
      %dma_wait3A_234 = tpu.memref_squeeze %dma_wait3A_233 : memref<1x1x12544xf32, #tpu.memory_space<hbm>> -> memref<12544xf32, #tpu.memory_space<hbm>>
      %dma_wait3A_235 = arith.constant 37632 : i32
      %dma_wait3A_236 = tpu.memref_slice %arg6[%dma_wait3A_235] : memref<100096xf32, #tpu.memory_space<vmem>> -> memref<12544xf32, #tpu.memory_space<vmem>>
      %dma_wait3A_237 = arith.constant 37632 : i32
      %dma_wait3A_238 = tpu.memref_slice %arg2[%select_n3A_49, %select_n3A_63, %dma_wait3A_237] : memref<104x8x100000xf32, #tpu.memory_space<hbm>> -> memref<1x1x12544xf32, #tpu.memory_space<hbm>>
      %dma_wait3A_239 = tpu.memref_squeeze %dma_wait3A_238 : memref<1x1x12544xf32, #tpu.memory_space<hbm>> -> memref<12544xf32, #tpu.memory_space<hbm>>
      tpu.wait_dma2 semaphore(%arg9 : memref<!tpu.dma_semaphore, #tpu.memory_space<semaphore_mem>>) src(%dma_wait3A_239 : memref<12544xf32, #tpu.memory_space<hbm>>) dst(%dma_wait3A_236 : memref<12544xf32, #tpu.memory_space<vmem>>)
      %dma_wait3A_240 = arith.constant 50176 : i32
      %dma_wait3A_241 = tpu.memref_slice %arg6[%dma_wait3A_240] : memref<100096xf32, #tpu.memory_space<vmem>> -> memref<12544xf32, #tpu.memory_space<vmem>>
      %dma_wait3A_242 = arith.constant 50176 : i32
      %dma_wait3A_243 = tpu.memref_slice %arg2[%select_n3A_49, %select_n3A_63, %dma_wait3A_242] : memref<104x8x100000xf32, #tpu.memory_space<hbm>> -> memref<1x1x12544xf32, #tpu.memory_space<hbm>>
      %dma_wait3A_244 = tpu.memref_squeeze %dma_wait3A_243 : memref<1x1x12544xf32, #tpu.memory_space<hbm>> -> memref<12544xf32, #tpu.memory_space<hbm>>
      %dma_wait3A_245 = arith.constant 50176 : i32
      %dma_wait3A_246 = tpu.memref_slice %arg6[%dma_wait3A_245] : memref<100096xf32, #tpu.memory_space<vmem>> -> memref<12544xf32, #tpu.memory_space<vmem>>
      %dma_wait3A_247 = arith.constant 50176 : i32
      %dma_wait3A_248 = tpu.memref_slice %arg2[%select_n3A_49, %select_n3A_63, %dma_wait3A_247] : memref<104x8x100000xf32, #tpu.memory_space<hbm>> -> memref<1x1x12544xf32, #tpu.memory_space<hbm>>
      %dma_wait3A_249 = tpu.memref_squeeze %dma_wait3A_248 : memref<1x1x12544xf32, #tpu.memory_space<hbm>> -> memref<12544xf32, #tpu.memory_space<hbm>>
      tpu.wait_dma2 semaphore(%arg9 : memref<!tpu.dma_semaphore, #tpu.memory_space<semaphore_mem>>) src(%dma_wait3A_249 : memref<12544xf32, #tpu.memory_space<hbm>>) dst(%dma_wait3A_246 : memref<12544xf32, #tpu.memory_space<vmem>>)
      %dma_wait3A_250 = arith.constant 62720 : i32
      %dma_wait3A_251 = tpu.memref_slice %arg6[%dma_wait3A_250] : memref<100096xf32, #tpu.memory_space<vmem>> -> memref<12544xf32, #tpu.memory_space<vmem>>
      %dma_wait3A_252 = arith.constant 62720 : i32
      %dma_wait3A_253 = tpu.memref_slice %arg2[%select_n3A_49, %select_n3A_63, %dma_wait3A_252] : memref<104x8x100000xf32, #tpu.memory_space<hbm>> -> memref<1x1x12544xf32, #tpu.memory_space<hbm>>
      %dma_wait3A_254 = tpu.memref_squeeze %dma_wait3A_253 : memref<1x1x12544xf32, #tpu.memory_space<hbm>> -> memref<12544xf32, #tpu.memory_space<hbm>>
      %dma_wait3A_255 = arith.constant 62720 : i32
      %dma_wait3A_256 = tpu.memref_slice %arg6[%dma_wait3A_255] : memref<100096xf32, #tpu.memory_space<vmem>> -> memref<12544xf32, #tpu.memory_space<vmem>>
      %dma_wait3A_257 = arith.constant 62720 : i32
      %dma_wait3A_258 = tpu.memref_slice %arg2[%select_n3A_49, %select_n3A_63, %dma_wait3A_257] : memref<104x8x100000xf32, #tpu.memory_space<hbm>> -> memref<1x1x12544xf32, #tpu.memory_space<hbm>>
      %dma_wait3A_259 = tpu.memref_squeeze %dma_wait3A_258 : memref<1x1x12544xf32, #tpu.memory_space<hbm>> -> memref<12544xf32, #tpu.memory_space<hbm>>
      tpu.wait_dma2 semaphore(%arg9 : memref<!tpu.dma_semaphore, #tpu.memory_space<semaphore_mem>>) src(%dma_wait3A_259 : memref<12544xf32, #tpu.memory_space<hbm>>) dst(%dma_wait3A_256 : memref<12544xf32, #tpu.memory_space<vmem>>)
      %dma_wait3A_260 = arith.constant 75264 : i32
      %dma_wait3A_261 = tpu.memref_slice %arg6[%dma_wait3A_260] : memref<100096xf32, #tpu.memory_space<vmem>> -> memref<12544xf32, #tpu.memory_space<vmem>>
      %dma_wait3A_262 = arith.constant 75264 : i32
      %dma_wait3A_263 = tpu.memref_slice %arg2[%select_n3A_49, %select_n3A_63, %dma_wait3A_262] : memref<104x8x100000xf32, #tpu.memory_space<hbm>> -> memref<1x1x12544xf32, #tpu.memory_space<hbm>>
      %dma_wait3A_264 = tpu.memref_squeeze %dma_wait3A_263 : memref<1x1x12544xf32, #tpu.memory_space<hbm>> -> memref<12544xf32, #tpu.memory_space<hbm>>
      %dma_wait3A_265 = arith.constant 75264 : i32
      %dma_wait3A_266 = tpu.memref_slice %arg6[%dma_wait3A_265] : memref<100096xf32, #tpu.memory_space<vmem>> -> memref<12544xf32, #tpu.memory_space<vmem>>
      %dma_wait3A_267 = arith.constant 75264 : i32
      %dma_wait3A_268 = tpu.memref_slice %arg2[%select_n3A_49, %select_n3A_63, %dma_wait3A_267] : memref<104x8x100000xf32, #tpu.memory_space<hbm>> -> memref<1x1x12544xf32, #tpu.memory_space<hbm>>
      %dma_wait3A_269 = tpu.memref_squeeze %dma_wait3A_268 : memref<1x1x12544xf32, #tpu.memory_space<hbm>> -> memref<12544xf32, #tpu.memory_space<hbm>>
      tpu.wait_dma2 semaphore(%arg9 : memref<!tpu.dma_semaphore, #tpu.memory_space<semaphore_mem>>) src(%dma_wait3A_269 : memref<12544xf32, #tpu.memory_space<hbm>>) dst(%dma_wait3A_266 : memref<12544xf32, #tpu.memory_space<vmem>>)
      %dma_wait3A_270 = arith.constant 87808 : i32
      %dma_wait3A_271 = tpu.memref_slice %arg6[%dma_wait3A_270] : memref<100096xf32, #tpu.memory_space<vmem>> -> memref<12160xf32, #tpu.memory_space<vmem>>
      %dma_wait3A_272 = arith.constant 87808 : i32
      %dma_wait3A_273 = tpu.memref_slice %arg2[%select_n3A_49, %select_n3A_63, %dma_wait3A_272] : memref<104x8x100000xf32, #tpu.memory_space<hbm>> -> memref<1x1x12160xf32, #tpu.memory_space<hbm>>
      %dma_wait3A_274 = tpu.memref_squeeze %dma_wait3A_273 : memref<1x1x12160xf32, #tpu.memory_space<hbm>> -> memref<12160xf32, #tpu.memory_space<hbm>>
      %dma_wait3A_275 = arith.constant 87808 : i32
      %dma_wait3A_276 = tpu.memref_slice %arg6[%dma_wait3A_275] : memref<100096xf32, #tpu.memory_space<vmem>> -> memref<12160xf32, #tpu.memory_space<vmem>>
      %dma_wait3A_277 = arith.constant 87808 : i32
      %dma_wait3A_278 = tpu.memref_slice %arg2[%select_n3A_49, %select_n3A_63, %dma_wait3A_277] : memref<104x8x100000xf32, #tpu.memory_space<hbm>> -> memref<1x1x12160xf32, #tpu.memory_space<hbm>>
      %dma_wait3A_279 = tpu.memref_squeeze %dma_wait3A_278 : memref<1x1x12160xf32, #tpu.memory_space<hbm>> -> memref<12160xf32, #tpu.memory_space<hbm>>
      tpu.wait_dma2 semaphore(%arg9 : memref<!tpu.dma_semaphore, #tpu.memory_space<semaphore_mem>>) src(%dma_wait3A_279 : memref<12160xf32, #tpu.memory_space<hbm>>) dst(%dma_wait3A_276 : memref<12160xf32, #tpu.memory_space<vmem>>)
      %dma_wait3A_280 = arith.constant 99968 : i32
      %dma_wait3A_281 = tpu.memref_slice %arg6[%dma_wait3A_280] : memref<100096xf32, #tpu.memory_space<vmem>> -> memref<128xf32, #tpu.memory_space<vmem>>
      %dma_wait3A_282 = tpu.memref_slice %arg3[%mul3A_170] : memref<26624xf32, #tpu.memory_space<hbm>> -> memref<128xf32, #tpu.memory_space<hbm>>
      %dma_wait3A_283 = arith.constant 99968 : i32
      %dma_wait3A_284 = tpu.memref_slice %arg6[%dma_wait3A_283] : memref<100096xf32, #tpu.memory_space<vmem>> -> memref<128xf32, #tpu.memory_space<vmem>>
      %dma_wait3A_285 = tpu.memref_slice %arg3[%mul3A_170] : memref<26624xf32, #tpu.memory_space<hbm>> -> memref<128xf32, #tpu.memory_space<hbm>>
      tpu.wait_dma2 semaphore(%arg9 : memref<!tpu.dma_semaphore, #tpu.memory_space<semaphore_mem>>) src(%dma_wait3A_285 : memref<128xf32, #tpu.memory_space<hbm>>) dst(%dma_wait3A_284 : memref<128xf32, #tpu.memory_space<vmem>>)
      %add3A_286 = arith.constant 99968 : i32
      %add3A_287 = arith.addi %add3A_286, %sub3A_173 : i32
      %get3A = arith.index_cast %add3A_287 : i32 to index
      %get3A_288 = tpu.vector_load %arg6[%get3A] {strides = array<i32>} : memref<100096xf32, #tpu.memory_space<vmem>>, vector<16xf32>,
      %add3A_289 = arith.constant 99968 : i32
      %add3A_290 = arith.addi %add3A_289, %sub3A_173 : i32
      %add3A_291 = arith.constant 16 : i32
      %add3A_292 = arith.addi %add3A_290, %add3A_291 : i32
      %get3A_293 = arith.index_cast %add3A_292 : i32 to index
      %get3A_294 = tpu.vector_load %arg6[%get3A_293] {strides = array<i32>} : memref<100096xf32, #tpu.memory_space<vmem>>, vector<16xf32>,
      %swap3A = arith.constant 99968 : index
      %swap3A_295 = tpu.vector_load %arg6[%swap3A] {strides = array<i32>} : memref<100096xf32, #tpu.memory_space<vmem>>, vector<16xf32>,
      tpu.vector_store %arg6[%swap3A], %get3A_288 {strides = array<i32>} : memref<100096xf32, #tpu.memory_space<vmem>>, vector<16xf32>,
      %swap3A_296 = arith.constant 99984 : index
      %swap3A_297 = tpu.vector_load %arg6[%swap3A_296] {strides = array<i32>} : memref<100096xf32, #tpu.memory_space<vmem>>, vector<16xf32>,
      tpu.vector_store %arg6[%swap3A_296], %get3A_294 {strides = array<i32>} : memref<100096xf32, #tpu.memory_space<vmem>>, vector<16xf32>,
      %scan3A_298 = arith.constant 0 : i32
      %scan3A_299 = arith.constant 0 : i32
      %scan3A_300 = arith.constant 4 : i32
      %scan3A_301 = arith.addi %scan3A_299, %scan3A_300 : i32
      %scan3A_302 = arith.constant 1 : i32
      scf.for %scan3A_330 = %scan3A_299 to %scan3A_301 step %scan3A_302  : i32 {
        %jit3A_331 = arith.constant 2 : i32
        %eq3A_332 = arith.constant 0 : i32
        %eq3A_333 = arith.cmpi eq, %jit3A_331, %eq3A_332 : i32
        %jit3A_334 = arith.constant 1 : i32
        %select_n3A_335 = arith.select %eq3A_333, %jit3A_334, %jit3A_331 : i32
        %rem3A_336 = arith.remsi %scan3A_330, %select_n3A_335 : i32
        %ne3A_337 = arith.constant 0 : i32
        %ne3A_338 = arith.cmpi ne, %rem3A_336, %ne3A_337 : i32
        %lt3A_339 = arith.constant 0 : i32
        %lt3A_340 = arith.cmpi slt, %rem3A_336, %lt3A_339 : i32
        %lt3A_341 = arith.constant 0 : i32
        %lt3A_342 = arith.cmpi slt, %select_n3A_335, %lt3A_341 : i32
        %ne3A_343 = arith.xori %lt3A_340, %lt3A_342 : i1
        %and3A_344 = arith.andi %ne3A_343, %ne3A_338 : i1
        %add3A_345 = arith.addi %rem3A_336, %select_n3A_335 : i32
        %select_n3A_346 = arith.select %and3A_344, %add3A_345, %rem3A_336 : i32
        %parallel_loop3A = arith.constant 0 : i32
        %parallel_loop3A_347 = arith.constant 256 : i32
        %parallel_loop3A_348 = arith.constant 1 : i32
        scf.for %parallel_loop3A_365 = %parallel_loop3A to %parallel_loop3A_347 step %parallel_loop3A_348  : i32 {
          %parallel_loop3A_366 = arith.constant 4096 : i32
          %parallel_loop3A_367 = arith.muli %scan3A_330, %parallel_loop3A_366 : i32
          %parallel_loop3A_368 = arith.constant 16 : i32
          %parallel_loop3A_369 = arith.muli %parallel_loop3A_365, %parallel_loop3A_368 : i32
          %parallel_loop3A_370 = arith.addi %parallel_loop3A_367, %parallel_loop3A_369 : i32
          %parallel_loop3A_371 = arith.index_cast %parallel_loop3A_370 : i32 to index
          %parallel_loop3A_372 = tpu.vector_load %arg7[%parallel_loop3A_371] {strides = array<i32>} : memref<16384xi32, #tpu.memory_space<vmem>>, vector<16xi32>,
          %parallel_loop3A_373 = tpu.vector_load_idx %arg6[%parallel_loop3A_372] : memref<100096xf32, #tpu.memory_space<vmem>>[vector<16xi32>], vector<16xf32>,
          %parallel_loop3A_374 = arith.constant 16 : i32
          %parallel_loop3A_375 = arith.muli %parallel_loop3A_365, %parallel_loop3A_374 : i32
          %parallel_loop3A_376 = arith.index_cast %select_n3A_346 : i32 to index
          %parallel_loop3A_377 = arith.index_cast %parallel_loop3A_375 : i32 to index
          %parallel_loop3A_378 = tpu.vector_load %arg8[%parallel_loop3A_376, %parallel_loop3A_377] {strides = array<i32>} : memref<2x4096xf32, #tpu.memory_space<vmem>>, vector<16xf32>,
          tpu.vector_store %arg8[%parallel_loop3A_376, %parallel_loop3A_377], %parallel_loop3A_373 {strides = array<i32>} : memref<2x4096xf32, #tpu.memory_space<vmem>>, vector<16xf32>,
        } {sc.loop_unroll_factor = 8 : i64, sc.parallel_access}
        %ge3A = arith.constant 2 : i32
        %ge3A_349 = arith.cmpi sge, %scan3A_330, %ge3A : i32
        %convert_element_type3A_350 = arith.extui %ge3A_349 : i1 to i32
        %cond3A_351 = arith.constant 0 : i32
        %cond3A_352 = arith.cmpi ne, %convert_element_type3A_350, %cond3A_351 : i32
        scf.if %cond3A_352 {
          %dma_wait3A_365 = arith.constant 0 : i32
          %dma_wait3A_366 = tpu.memref_slice %arg8[%select_n3A_346, %dma_wait3A_365] : memref<2x4096xf32, #tpu.memory_space<vmem>> -> memref<1x4096xf32, #tpu.memory_space<vmem>>
          %dma_wait3A_367 = tpu.memref_squeeze %dma_wait3A_366 : memref<1x4096xf32, #tpu.memory_space<vmem>> -> memref<4096xf32, #tpu.memory_space<vmem>>
          %dma_wait3A_368 = arith.constant 0 : i32
          %dma_wait3A_369 = tpu.memref_slice %arg5[%add3A_9, %dma_wait3A_368] : memref<832x16384xf32, #tpu.memory_space<hbm>> -> memref<1x4096xf32, #tpu.memory_space<hbm>>
          %dma_wait3A_370 = tpu.memref_squeeze %dma_wait3A_369 : memref<1x4096xf32, #tpu.memory_space<hbm>> -> memref<4096xf32, #tpu.memory_space<hbm>>
          %dma_wait3A_371 = arith.constant 0 : i32
          %dma_wait3A_372 = tpu.memref_slice %arg5[%add3A_9, %dma_wait3A_371] : memref<832x16384xf32, #tpu.memory_space<hbm>> -> memref<1x4096xf32, #tpu.memory_space<hbm>>
          %dma_wait3A_373 = tpu.memref_squeeze %dma_wait3A_372 : memref<1x4096xf32, #tpu.memory_space<hbm>> -> memref<4096xf32, #tpu.memory_space<hbm>>
          %dma_wait3A_374 = arith.constant 0 : i32
          %dma_wait3A_375 = tpu.memref_slice %arg8[%select_n3A_346, %dma_wait3A_374] : memref<2x4096xf32, #tpu.memory_space<vmem>> -> memref<1x4096xf32, #tpu.memory_space<vmem>>
          %dma_wait3A_376 = tpu.memref_squeeze %dma_wait3A_375 : memref<1x4096xf32, #tpu.memory_space<vmem>> -> memref<4096xf32, #tpu.memory_space<vmem>>
          tpu.wait_dma2 semaphore(%arg10 : memref<!tpu.dma_semaphore, #tpu.memory_space<semaphore_mem>>) src(%dma_wait3A_376 : memref<4096xf32, #tpu.memory_space<vmem>>) dst(%dma_wait3A_373 : memref<4096xf32, #tpu.memory_space<hbm>>)
        } else {
        }
        %mul3A_353 = arith.constant 4096 : i32
        %mul3A_354 = arith.muli %scan3A_330, %mul3A_353 : i32
        %dma_start3A_355 = arith.constant 0 : i32
        %dma_start3A_356 = tpu.memref_slice %arg8[%select_n3A_346, %dma_start3A_355] : memref<2x4096xf32, #tpu.memory_space<vmem>> -> memref<1x4096xf32, #tpu.memory_space<vmem>>
        %dma_start3A_357 = tpu.memref_squeeze %dma_start3A_356 : memref<1x4096xf32, #tpu.memory_space<vmem>> -> memref<4096xf32, #tpu.memory_space<vmem>>
        %dma_start3A_358 = tpu.memref_slice %arg5[%add3A_9, %mul3A_354] : memref<832x16384xf32, #tpu.memory_space<hbm>> -> memref<1x4096xf32, #tpu.memory_space<hbm>>
        %dma_start3A_359 = tpu.memref_squeeze %dma_start3A_358 : memref<1x4096xf32, #tpu.memory_space<hbm>> -> memref<4096xf32, #tpu.memory_space<hbm>>
        %dma_start3A_360 = tpu.memref_slice %arg5[%add3A_9, %mul3A_354] : memref<832x16384xf32, #tpu.memory_space<hbm>> -> memref<1x4096xf32, #tpu.memory_space<hbm>>
        %dma_start3A_361 = tpu.memref_squeeze %dma_start3A_360 : memref<1x4096xf32, #tpu.memory_space<hbm>> -> memref<4096xf32, #tpu.memory_space<hbm>>
        %dma_start3A_362 = arith.constant 0 : i32
        %dma_start3A_363 = tpu.memref_slice %arg8[%select_n3A_346, %dma_start3A_362] : memref<2x4096xf32, #tpu.memory_space<vmem>> -> memref<1x4096xf32, #tpu.memory_space<vmem>>
        %dma_start3A_364 = tpu.memref_squeeze %dma_start3A_363 : memref<1x4096xf32, #tpu.memory_space<vmem>> -> memref<4096xf32, #tpu.memory_space<vmem>>
        tpu.enqueue_dma source(%dma_start3A_364 : memref<4096xf32, #tpu.memory_space<vmem>>) target(%dma_start3A_361 : memref<4096xf32, #tpu.memory_space<hbm>>) target_semaphore(%arg10 : memref<!tpu.dma_semaphore, #tpu.memory_space<semaphore_mem>>)
      }
      %scan3A_303 = arith.constant 4 : i32
      %dma_wait3A_304 = arith.constant 0 : i32
      %dma_wait3A_305 = arith.constant 0 : i32
      %dma_wait3A_306 = tpu.memref_slice %arg8[%dma_wait3A_304, %dma_wait3A_305] : memref<2x4096xf32, #tpu.memory_space<vmem>> -> memref<1x4096xf32, #tpu.memory_space<vmem>>
      %dma_wait3A_307 = tpu.memref_squeeze %dma_wait3A_306 : memref<1x4096xf32, #tpu.memory_space<vmem>> -> memref<4096xf32, #tpu.memory_space<vmem>>
      %dma_wait3A_308 = arith.constant 0 : i32
      %dma_wait3A_309 = tpu.memref_slice %arg5[%add3A_9, %dma_wait3A_308] : memref<832x16384xf32, #tpu.memory_space<hbm>> -> memref<1x4096xf32, #tpu.memory_space<hbm>>
      %dma_wait3A_310 = tpu.memref_squeeze %dma_wait3A_309 : memref<1x4096xf32, #tpu.memory_space<hbm>> -> memref<4096xf32, #tpu.memory_space<hbm>>
      %dma_wait3A_311 = arith.constant 0 : i32
      %dma_wait3A_312 = tpu.memref_slice %arg5[%add3A_9, %dma_wait3A_311] : memref<832x16384xf32, #tpu.memory_space<hbm>> -> memref<1x4096xf32, #tpu.memory_space<hbm>>
      %dma_wait3A_313 = tpu.memref_squeeze %dma_wait3A_312 : memref<1x4096xf32, #tpu.memory_space<hbm>> -> memref<4096xf32, #tpu.memory_space<hbm>>
      %dma_wait3A_314 = arith.constant 0 : i32
      %dma_wait3A_315 = tpu.memref_slice %arg8[%dma_wait3A_304, %dma_wait3A_314] : memref<2x4096xf32, #tpu.memory_space<vmem>> -> memref<1x4096xf32, #tpu.memory_space<vmem>>
      %dma_wait3A_316 = tpu.memref_squeeze %dma_wait3A_315 : memref<1x4096xf32, #tpu.memory_space<vmem>> -> memref<4096xf32, #tpu.memory_space<vmem>>
      tpu.wait_dma2 semaphore(%arg10 : memref<!tpu.dma_semaphore, #tpu.memory_space<semaphore_mem>>) src(%dma_wait3A_316 : memref<4096xf32, #tpu.memory_space<vmem>>) dst(%dma_wait3A_313 : memref<4096xf32, #tpu.memory_space<hbm>>)
      %dma_wait3A_317 = arith.constant 0 : i32
      %dma_wait3A_318 = arith.constant 0 : i32
      %dma_wait3A_319 = tpu.memref_slice %arg8[%dma_wait3A_317, %dma_wait3A_318] : memref<2x4096xf32, #tpu.memory_space<vmem>> -> memref<1x4096xf32, #tpu.memory_space<vmem>>
      %dma_wait3A_320 = tpu.memref_squeeze %dma_wait3A_319 : memref<1x4096xf32, #tpu.memory_space<vmem>> -> memref<4096xf32, #tpu.memory_space<vmem>>
      %dma_wait3A_321 = arith.constant 0 : i32
      %dma_wait3A_322 = tpu.memref_slice %arg5[%add3A_9, %dma_wait3A_321] : memref<832x16384xf32, #tpu.memory_space<hbm>> -> memref<1x4096xf32, #tpu.memory_space<hbm>>
      %dma_wait3A_323 = tpu.memref_squeeze %dma_wait3A_322 : memref<1x4096xf32, #tpu.memory_space<hbm>> -> memref<4096xf32, #tpu.memory_space<hbm>>
      %dma_wait3A_324 = arith.constant 0 : i32
      %dma_wait3A_325 = tpu.memref_slice %arg5[%add3A_9, %dma_wait3A_324] : memref<832x16384xf32, #tpu.memory_space<hbm>> -> memref<1x4096xf32, #tpu.memory_space<hbm>>
      %dma_wait3A_326 = tpu.memref_squeeze %dma_wait3A_325 : memref<1x4096xf32, #tpu.memory_space<hbm>> -> memref<4096xf32, #tpu.memory_space<hbm>>
      %dma_wait3A_327 = arith.constant 0 : i32
      %dma_wait3A_328 = tpu.memref_slice %arg8[%dma_wait3A_317, %dma_wait3A_327] : memref<2x4096xf32, #tpu.memory_space<vmem>> -> memref<1x4096xf32, #tpu.memory_space<vmem>>
      %dma_wait3A_329 = tpu.memref_squeeze %dma_wait3A_328 : memref<1x4096xf32, #tpu.memory_space<vmem>> -> memref<4096xf32, #tpu.memory_space<vmem>>
      tpu.wait_dma2 semaphore(%arg10 : memref<!tpu.dma_semaphore, #tpu.memory_space<semaphore_mem>>) src(%dma_wait3A_329 : memref<4096xf32, #tpu.memory_space<vmem>>) dst(%dma_wait3A_326 : memref<4096xf32, #tpu.memory_space<hbm>>)
    }
    %scan3A_5 = arith.constant 26 : i32
    return
  }
}

module attributes {stable_mosaic.version = 14 : i64} {
  func.func @body(%arg0: i32, %arg1: memref<8x2048xf32, #tpu.memory_space<vmem>>, %arg2: memref<32x8xf32, #tpu.memory_space<vmem>>, %arg3: memref<32x1xf32, #tpu.memory_space<vmem>>, %arg4: memref<32x1xf32, #tpu.memory_space<vmem>>, %arg5: memref<32x1xf32, #tpu.memory_space<vmem>>, %arg6: memref<832x2048xf32, #tpu.memory_space<vmem>>, %arg7: memref<32x32xf32, #tpu.memory_space<vmem>>, %arg8: memref<32x832xf32, #tpu.memory_space<vmem>>, %arg9: memref<32x1xf32, #tpu.memory_space<vmem>>, %arg10: memref<32x2048xf32, #tpu.memory_space<vmem>>) attributes {dimension_semantics = [#tpu.dimension_semantics<arbitrary>], iteration_bounds = array<i64: 8>, scalar_prefetch = 0 : i64, scratch_operands = 0 : i64, tpu.core_type = #tpu.core_type<tc>, window_params = [{transform_indices = @transform_0, window_bounds = array<i64: 8, 2048>}, {pipeline_mode = #tpu.pipeline_mode<synchronous>, transform_indices = @transform_1, window_bounds = array<i64: 32, 8>}, {pipeline_mode = #tpu.pipeline_mode<synchronous>, transform_indices = @transform_2, window_bounds = array<i64: 32, 1>}, {pipeline_mode = #tpu.pipeline_mode<synchronous>, transform_indices = @transform_3, window_bounds = array<i64: 32, 1>}, {pipeline_mode = #tpu.pipeline_mode<synchronous>, transform_indices = @transform_4, window_bounds = array<i64: 32, 1>}, {transform_indices = @transform_5, window_bounds = array<i64: 832, 2048>}, {pipeline_mode = #tpu.pipeline_mode<synchronous>, transform_indices = @transform_6, window_bounds = array<i64: 32, 32>}, {pipeline_mode = #tpu.pipeline_mode<synchronous>, transform_indices = @transform_7, window_bounds = array<i64: 32, 832>}, {pipeline_mode = #tpu.pipeline_mode<synchronous>, transform_indices = @transform_8, window_bounds = array<i64: 32, 1>}, {transform_indices = @transform_9, window_bounds = array<i64: 32, 2048>}]} {
    %get3A = arith.constant 0 : index
    %get3A_0 = arith.constant 0 : index
    %get3A_1 = vector.load %arg2[%get3A, %get3A_0] : memref<32x8xf32, #tpu.memory_space<vmem>>, vector<32x8xf32>
    %get3A_2 = arith.constant 0 : index
    %get3A_3 = arith.constant 0 : index
    %get3A_4 = vector.load %arg1[%get3A_2, %get3A_3] : memref<8x2048xf32, #tpu.memory_space<vmem>>, vector<8x2048xf32>
    %dot_general3A = arith.constant dense<0.000000e+00> : vector<32x2048xf32>
    %dot_general3A_5 = tpu.matmul %get3A_1, %get3A_4, %dot_general3A {dimension_numbers = #tpu.dot_dimension_numbers<[1], [0], [0], [1], [0, 0, 1, 1], [], []>, transpose_lhs_hint = false} : vector<32x8xf32>, vector<8x2048xf32>, vector<32x2048xf32> -> vector<32x2048xf32>
    %get3A_6 = arith.constant 0 : index
    %get3A_7 = arith.constant 0 : index
    %get3A_8 = vector.load %arg3[%get3A_6, %get3A_7] : memref<32x1xf32, #tpu.memory_space<vmem>>, vector<32x1xf32>
    %add3A = vector.broadcast %get3A_8 : vector<32x1xf32> to vector<32x2048xf32>
    %add3A_9 = arith.addf %dot_general3A_5, %add3A : vector<32x2048xf32>
    %reduce_sum3A = arith.constant dense<0.000000e+00> : vector<2048xf32>
    %reduce_sum3A_10 = vector.multi_reduction <add>, %add3A_9, %reduce_sum3A [0] : vector<32x2048xf32> to vector<2048xf32>
    %broadcast_in_dim3A = vector.shape_cast %reduce_sum3A_10 : vector<2048xf32> to vector<1x2048xf32>
    %div3A = arith.constant 3.200000e+01 : f32
    %div3A_11 = vector.broadcast %div3A : f32 to vector<1x2048xf32>
    %div3A_12 = arith.divf %broadcast_in_dim3A, %div3A_11 : vector<1x2048xf32>
    %sub3A = vector.broadcast %div3A_12 : vector<1x2048xf32> to vector<32x2048xf32>
    %sub3A_13 = arith.subf %add3A_9, %sub3A : vector<32x2048xf32>
    %integer_pow3A = arith.mulf %sub3A_13, %sub3A_13 : vector<32x2048xf32>
    %reduce_sum3A_14 = arith.constant dense<0.000000e+00> : vector<2048xf32>
    %reduce_sum3A_15 = vector.multi_reduction <add>, %integer_pow3A, %reduce_sum3A_14 [0] : vector<32x2048xf32> to vector<2048xf32>
    %broadcast_in_dim3A_16 = vector.shape_cast %reduce_sum3A_15 : vector<2048xf32> to vector<1x2048xf32>
    %div3A_17 = arith.constant 3.200000e+01 : f32
    %div3A_18 = vector.broadcast %div3A_17 : f32 to vector<1x2048xf32>
    %div3A_19 = arith.divf %broadcast_in_dim3A_16, %div3A_18 : vector<1x2048xf32>
    %sub3A_20 = vector.broadcast %div3A_12 : vector<1x2048xf32> to vector<32x2048xf32>
    %sub3A_21 = arith.subf %add3A_9, %sub3A_20 : vector<32x2048xf32>
    %add3A_22 = arith.constant 9.99999974E-6 : f32
    %add3A_23 = vector.broadcast %add3A_22 : f32 to vector<1x2048xf32>
    %add3A_24 = arith.addf %div3A_19, %add3A_23 : vector<1x2048xf32>
    %rsqrt3A = math.rsqrt %add3A_24 : vector<1x2048xf32>
    %mul3A = vector.broadcast %rsqrt3A : vector<1x2048xf32> to vector<32x2048xf32>
    %mul3A_25 = arith.mulf %sub3A_21, %mul3A : vector<32x2048xf32>
    %get3A_26 = arith.constant 0 : index
    %get3A_27 = arith.constant 0 : index
    %get3A_28 = vector.load %arg4[%get3A_26, %get3A_27] : memref<32x1xf32, #tpu.memory_space<vmem>>, vector<32x1xf32>
    %mul3A_29 = vector.broadcast %get3A_28 : vector<32x1xf32> to vector<32x2048xf32>
    %mul3A_30 = arith.mulf %mul3A_25, %mul3A_29 : vector<32x2048xf32>
    %get3A_31 = arith.constant 0 : index
    %get3A_32 = arith.constant 0 : index
    %get3A_33 = vector.load %arg5[%get3A_31, %get3A_32] : memref<32x1xf32, #tpu.memory_space<vmem>>, vector<32x1xf32>
    %add3A_34 = vector.broadcast %get3A_33 : vector<32x1xf32> to vector<32x2048xf32>
    %add3A_35 = arith.addf %mul3A_30, %add3A_34 : vector<32x2048xf32>
    %mul3A_36 = arith.constant 5.000000e-01 : f32
    %mul3A_37 = vector.broadcast %mul3A_36 : f32 to vector<32x2048xf32>
    %mul3A_38 = arith.mulf %mul3A_37, %add3A_35 : vector<32x2048xf32>
    %mul3A_39 = arith.constant 0.707106769 : f32
    %mul3A_40 = vector.broadcast %mul3A_39 : f32 to vector<32x2048xf32>
    %mul3A_41 = arith.mulf %add3A_35, %mul3A_40 : vector<32x2048xf32>
    %erf3A = math.erf %mul3A_41 : vector<32x2048xf32>
    %add3A_42 = arith.constant 1.000000e+00 : f32
    %add3A_43 = vector.broadcast %add3A_42 : f32 to vector<32x2048xf32>
    %add3A_44 = arith.addf %add3A_43, %erf3A : vector<32x2048xf32>
    %mul3A_45 = arith.mulf %mul3A_38, %add3A_44 : vector<32x2048xf32>
    %get3A_46 = arith.constant 0 : index
    %get3A_47 = arith.constant 0 : index
    %get3A_48 = vector.load %arg7[%get3A_46, %get3A_47] : memref<32x32xf32, #tpu.memory_space<vmem>>, vector<32x32xf32>
    %dot_general3A_49 = arith.constant dense<0.000000e+00> : vector<32x2048xf32>
    %dot_general3A_50 = tpu.matmul %get3A_48, %mul3A_45, %dot_general3A_49 {dimension_numbers = #tpu.dot_dimension_numbers<[1], [0], [0], [1], [0, 0, 1, 1], [], []>, transpose_lhs_hint = false} : vector<32x32xf32>, vector<32x2048xf32>, vector<32x2048xf32> -> vector<32x2048xf32>
    %get3A_51 = arith.constant 0 : index
    %get3A_52 = arith.constant 0 : index
    %get3A_53 = vector.load %arg8[%get3A_51, %get3A_52] : memref<32x832xf32, #tpu.memory_space<vmem>>, vector<32x832xf32>
    %get3A_54 = arith.constant 0 : index
    %get3A_55 = arith.constant 0 : index
    %get3A_56 = vector.load %arg6[%get3A_54, %get3A_55] : memref<832x2048xf32, #tpu.memory_space<vmem>>, vector<832x2048xf32>
    %dot_general3A_57 = arith.constant dense<0.000000e+00> : vector<32x2048xf32>
    %dot_general3A_58 = tpu.matmul %get3A_53, %get3A_56, %dot_general3A_57 {dimension_numbers = #tpu.dot_dimension_numbers<[1], [0], [0], [1], [0, 0, 1, 1], [], []>, transpose_lhs_hint = false} : vector<32x832xf32>, vector<832x2048xf32>, vector<32x2048xf32> -> vector<32x2048xf32>
    %add3A_59 = arith.addf %dot_general3A_50, %dot_general3A_58 : vector<32x2048xf32>
    %get3A_60 = arith.constant 0 : index
    %get3A_61 = arith.constant 0 : index
    %get3A_62 = vector.load %arg9[%get3A_60, %get3A_61] : memref<32x1xf32, #tpu.memory_space<vmem>>, vector<32x1xf32>
    %add3A_63 = vector.broadcast %get3A_62 : vector<32x1xf32> to vector<32x2048xf32>
    %add3A_64 = arith.addf %add3A_59, %add3A_63 : vector<32x2048xf32>
    %swap3A = arith.constant 0 : index
    %swap3A_65 = arith.constant 0 : index
    %swap3A_66 = vector.load %arg10[%swap3A, %swap3A_65] : memref<32x2048xf32, #tpu.memory_space<vmem>>, vector<32x2048xf32>
    tpu.vector_store %arg10[%swap3A, %swap3A_65], %add3A_64 {strides = array<i32>} : memref<32x2048xf32, #tpu.memory_space<vmem>>, vector<32x2048xf32>,
    return
  }
  func.func @transform_0(%arg0: i32) -> (i32, i32) {
    %c0_i32 = arith.constant 0 : i32
    %c0_i32_0 = arith.constant 0 : i32
    return %c0_i32, %arg0 : i32, i32
  }
  func.func @transform_1(%arg0: i32) -> (i32, i32) {
    %c0_i32 = arith.constant 0 : i32
    %c0_i32_0 = arith.constant 0 : i32
    %c0_i32_1 = arith.constant 0 : i32
    return %c0_i32, %c0_i32_0 : i32, i32
  }
  func.func @transform_2(%arg0: i32) -> (i32, i32) {
    %c0_i32 = arith.constant 0 : i32
    %c0_i32_0 = arith.constant 0 : i32
    %c0_i32_1 = arith.constant 0 : i32
    return %c0_i32, %c0_i32_0 : i32, i32
  }
  func.func @transform_3(%arg0: i32) -> (i32, i32) {
    %c0_i32 = arith.constant 0 : i32
    %c0_i32_0 = arith.constant 0 : i32
    %c0_i32_1 = arith.constant 0 : i32
    return %c0_i32, %c0_i32_0 : i32, i32
  }
  func.func @transform_4(%arg0: i32) -> (i32, i32) {
    %c0_i32 = arith.constant 0 : i32
    %c0_i32_0 = arith.constant 0 : i32
    %c0_i32_1 = arith.constant 0 : i32
    return %c0_i32, %c0_i32_0 : i32, i32
  }
  func.func @transform_5(%arg0: i32) -> (i32, i32) {
    %c0_i32 = arith.constant 0 : i32
    %c0_i32_0 = arith.constant 0 : i32
    return %c0_i32, %arg0 : i32, i32
  }
  func.func @transform_6(%arg0: i32) -> (i32, i32) {
    %c0_i32 = arith.constant 0 : i32
    %c0_i32_0 = arith.constant 0 : i32
    %c0_i32_1 = arith.constant 0 : i32
    return %c0_i32, %c0_i32_0 : i32, i32
  }
  func.func @transform_7(%arg0: i32) -> (i32, i32) {
    %c0_i32 = arith.constant 0 : i32
    %c0_i32_0 = arith.constant 0 : i32
    %c0_i32_1 = arith.constant 0 : i32
    return %c0_i32, %c0_i32_0 : i32, i32
  }
  func.func @transform_8(%arg0: i32) -> (i32, i32) {
    %c0_i32 = arith.constant 0 : i32
    %c0_i32_0 = arith.constant 0 : i32
    %c0_i32_1 = arith.constant 0 : i32
    return %c0_i32, %c0_i32_0 : i32, i32
  }
  func.func @transform_9(%arg0: i32) -> (i32, i32) {
    %c0_i32 = arith.constant 0 : i32
    %c0_i32_0 = arith.constant 0 : i32
    return %c0_i32, %arg0 : i32, i32
  }
}

</mosaic_0001>

<sc_bundles>
// kernel: kernel.4.cloned.1.call-start
scs
__scs_entry_jumppad:
0x0: {  	(pc) =	sbr.rel $0x88, $3  }
0x1: {  	(tag) =	ssettag $0x0;
	lr =	simm.s32 $0x1  }
0x2: {  	[smem:$0x3F98] =	sst lr;
	_ =	strace $0xD0000000  }
0x3: {  	_ = 	snop  }
0x4: {  	_ = 	snop  }
0x5: {  	_ = 	snop  }
0x6: {  	_ = 	snop  }
0x7: {  	_ = 	snop  }
__scs_overlays_trampoline_lowered:
0x8: {  	[smem:$0x3FA7] =	sst s0  }
0x9: {  	[smem:$0x3FA8] =	sst s1  }
0xa: {  	[smem:$0x3FA9] =	sst s2  }
0xb: {  	[smem:$0x3FAA] =	sst s3  }
0xc: {  	[smem:$0x3FAB] =	sst s4  }
0xd: {  	[smem:$0x3FAC] =	sst s5  }
0xe: {  	[smem:$0x3FAD] =	sst s6  }
0xf: {  	[smem:$0x3FAE] =	sst s7  }
0x10: {  	[smem:$0x3FAF] =	sst s8  }
0x11: {  	[smem:$0x3FB0] =	sst s9;
	s0 =	simm.s32 @!p0 $0x0  }
0x12: {  	s1 =	sld [smem:$0x3F96];
	s0 =	simm.s32 @p0 $0x1  }
0x13: {  	[smem:$0x3FB1] =	sst s0;
	s0 =	simm.s32 @!p1 $0x0  }
0x14: {  	s2 =	sld [smem:$0x3F95];
	s0 =	simm.s32 @p1 $0x1  }
0x15: {  	[smem:$0x3FB2] =	sst s0;
	s0 =	simm.s32 @!p2 $0x0  }
0x16: {  	s3 =	sld [smem:$0x3FDB];
	s0 =	simm.s32 @p2 $0x1  }
0x17: {  	s4 =	simm.s32 $0x1BF5;
	[smem:$0x3FB4] =	sst s0  }
0x18: {  	s0 =	sld [smem:$0x3F97];
	_ =	swait.ge [sflag:s4], $0x0  }
0x19: {  	s7 =	sld [smem:$0x3F98]  }
0x1a: {  	s8 =	sadd.s32 $0xFFFFE003, lr  }
0x1b: {  	s9 =	sadd.s32 $0xFFFFFEF7, lr;
	s5 =	simm.s32 $0xFFFFFFFF;
	p2 =	slt.u32 s8, $0xFFFFF086  }
0x1c: {  	p1 =	slt.u32 s9, $0xF7A;
	s5 =	simm.s32 @!p2 $0x0  }
0x1d: {  	s5 =	simm.s32 @p1 $0x1;
	p0 =	seq.s32 s7, s2  }
0x1e: {  	s7 =	smul.u32 @!p0 $0xF7A, s2;
	p2 =	seq.s32 @!p0 s5, $0x0  }
0x1f: {  	s9 =	smul.u32 $0xF7A, s1;
	s8 =	simm.s32 @!p0 $0x1BF5;
	p2 =	por !p2, p0  }
0x20: {  	[sflag:s8] =	ssyncset.s32 @!p0 $0xFFFFF086;
	s6 =	sadd.s32 @!p0 s3, s7;
	s7 =	simm.s32 @!p0 $0x108  }
0x21: {  	s3 =	sadd.s32 s3, s9;
	s6 =	sadd.s32 @!p0 $0x88, s6;
	s7 =	simm.s32 @p2 $0x1082  }
0x22: {  	[simem:s7], [sflag:s8] =	dma.local @!p0 [hbm:s6], $0xF7A  }
0x23: {  	s9 =	sor.u32 $0xD0000000, s2;
	s6 =	simm.s32 $0x108;
	_ =	swait.ge @!p0 [sflag:s8], $0x0  }
0x24: {  	s3 =	sadd.s32 $0x88, s3;
	s6 =	simm.s32 @!p1 $0x1082;
	[sflag:s4] =	ssyncset.s32 $0xFFFFF086  }
0x25: {  	[simem:s6], [sflag:s4] =	dma.local [hbm:s3], $0xF7A  }
0x26: {  	[smem:$0x3F98] =	sst s1;
	(tag) =	ssettag s2;
	_ =	strace s9  }
0x27: {  	s1 =	sld [smem:$0x3FA8]  }
0x28: {  	s2 =	sld [smem:$0x3FA9]  }
0x29: {  	s4 =	sld [smem:$0x3FAB]  }
0x2a: {  	p0 =	seq.s32 s5, $0x0;
	s5 =	sld [smem:$0x3FAC]  }
0x2b: {  	s6 =	sld [smem:$0x3FAD]  }
0x2c: {  	s7 =	sld [smem:$0x3FAE]  }
0x2d: {  	s3 =	simm.s32 $0x108;
	s8 =	sld [smem:$0x3FAF]  }
0x2e: {  	s3 =	simm.s32 @!p0 $0x1082;
	s9 =	sld [smem:$0x3FB0]  }
0x2f: {  	lr =	sadd.s32 s0, s3;
	s0 =	sld [smem:$0x3FA7]  }
0x30: {  	s3 =	sld [smem:$0x3FAA]  }
0x31: {  	[smem:$0x3FB3] =	sst s10  }
0x32: {  	s10 =	sld [smem:$0x3FB1];
	_ =	sdelay $0x3  }
0x33: {  	p0 =	seq.s32 s10, $0x1;
	s10 =	sld [smem:$0x3FB3];
	_ =	sdelay $0x3  }
0x34: {  	[smem:$0x3FB3] =	sst s10  }
0x35: {  	s10 =	sld [smem:$0x3FB2];
	_ =	sdelay $0x3  }
0x36: {  	p1 =	seq.s32 s10, $0x1;
	s10 =	sld [smem:$0x3FB3];
	_ =	sdelay $0x3  }
0x37: {  	[smem:$0x3FB3] =	sst s10  }
0x38: {  	s10 =	sld [smem:$0x3FB4]  }
0x39: {  	_ = 	snop;
	(pc) =	sbr.ind lr, $3  }
0x3a: {  	_ = 	snop  }
0x3b: {  	_ = 	snop  }
0x3c: {  	p2 =	seq.s32 s10, $0x1;
	s10 =	sld [smem:$0x3FB3]  }
0x3d: {  	_ =	shalt  }
0x3e: {  	_ =	shalt  }
0x3f: {  	_ =	shalt  }
0x40: {  	_ =	shalt  }
0x41: {  	_ =	shalt  }
0x42: {  	_ =	shalt  }
0x43: {  	_ =	shalt  }
0x44: {  	_ =	shalt  }
0x45: {  	_ =	shalt  }
0x46: {  	_ =	shalt  }
0x47: {  	_ =	shalt  }
0x48: {  	_ =	shalt  }
0x49: {  	_ =	shalt  }
0x4a: {  	_ =	shalt  }
0x4b: {  	_ =	shalt  }
0x4c: {  	_ =	shalt  }
0x4d: {  	_ =	shalt  }
0x4e: {  	_ =	shalt  }
0x4f: {  	_ =	shalt  }
0x50: {  	_ =	shalt  }
0x51: {  	_ =	shalt  }
0x52: {  	_ =	shalt  }
0x53: {  	_ =	shalt  }
0x54: {  	_ =	shalt  }
0x55: {  	_ =	shalt  }
0x56: {  	_ =	shalt  }
0x57: {  	_ =	shalt  }
0x58: {  	_ =	shalt  }
0x59: {  	_ =	shalt  }
0x5a: {  	_ =	shalt  }
0x5b: {  	_ =	shalt  }
0x5c: {  	_ =	shalt  }
0x5d: {  	_ =	shalt  }
0x5e: {  	_ =	shalt  }
0x5f: {  	_ =	shalt  }
0x60: {  	_ =	shalt  }
0x61: {  	_ =	shalt  }
0x62: {  	_ =	shalt  }
0x63: {  	_ =	shalt  }
0x64: {  	_ =	shalt  }
0x65: {  	_ =	shalt  }
0x66: {  	_ =	shalt  }
0x67: {  	_ =	shalt  }
0x68: {  	_ =	shalt  }
0x69: {  	_ =	shalt  }
0x6a: {  	_ =	shalt  }
0x6b: {  	_ =	shalt  }
0x6c: {  	_ =	shalt  }
0x6d: {  	_ =	shalt  }
0x6e: {  	_ =	shalt  }
0x6f: {  	_ =	shalt  }
0x70: {  	_ =	shalt  }
0x71: {  	_ =	shalt  }
0x72: {  	_ =	shalt  }
0x73: {  	_ =	shalt  }
0x74: {  	_ =	shalt  }
0x75: {  	_ =	shalt  }
0x76: {  	_ =	shalt  }
0x77: {  	_ =	shalt  }
0x78: {  	_ =	shalt  }
0x79: {  	_ =	shalt  }
0x7a: {  	_ =	shalt  }
0x7b: {  	_ =	shalt  }
0x7c: {  	_ =	shalt  }
0x7d: {  	_ =	shalt  }
0x7e: {  	_ =	shalt  }
0x7f: {  	_ =	shalt  }
0x80: {  	_ =	shalt  }
0x81: {  	_ =	shalt  }
0x82: {  	_ =	shalt  }
0x83: {  	_ =	shalt  }
0x84: {  	_ =	shalt  }
0x85: {  	_ =	shalt  }
0x86: {  	_ =	shalt  }
0x87: {  	_ =	shalt  }
.Lfunc_end0:
.L_simem_size_0:
called_computation_lowered:
.L_overlay_start_0:
0x88: {  	s2 =	sld [smem:$0x3FD9]  }
0x89: {  	s3 =	sld [smem:$0x3FFE];
	_ =	sdelay $0x1  }
0x8a: {  	s1 =	srdreg.scid  }
0x8b: {  	s0 =	sand.u32 $0x1, s1  }
0x8c: {  	s17 =	sshll.u32 s0, $0xA;
	s2 =	sadd.s32 s3, s2  }
0x8d: {  	s2 =	sadd.s32 s2, s17  }
0x8e: {  	[smem:$0x3FBF] =	sst s2  }
0x8f: {  	_ = 	snop  }
0x90: {  	s2 =	sld [smem:$0x3FC8]  }
0x91: {  	s18 =	sld [smem:$0x3FC3]  }
0x92: {  	s4 =	sld [smem:$0x3FD0];
	(tm) =	ssettm $0x1  }
0x93: {  	s5 =	sld [smem:$0x3FFB];
	_ =	sdelay $0x3  }
0x94: {  	_ =	strace s5  }
0x95: {  	s5 =	sld [smem:$0x3FFC];
	_ =	sdelay $0x3  }
0x96: {  	_ =	strace s5  }
0x97: {  	s5 =	sld [smem:$0x3FFD];
	_ =	sdelay $0x3  }
0x98: {  	_ =	strace s5  }
0x99: {  	_ =	strace $0x8FFFFFFF  }
0x9a: {  	s19 =	sld [smem:$0x3FDB];
	_ =	sdelay $0x1  }
0x9b: {  	s6 =	simm.s32 $_scs_section_size  }
0x9c: {  	s7 =	simm.s32 $_size__tile_overlayer_lowered;
	s8 =	simm.s32 $_tile_overlayer_lowered  }
0x9d: {  	s22 =	simm.s32 $0x1BFF;
	s21 =	sshll.u32 s8, $0x1;
	s5 =	sadd.s32 s6, s19  }
0x9e: {  	s9 =	simm.s32 $0x0;
	s20 =	sshll.u32 s7, $0x1;
	s7 =	sadd.s32 s21, s5  }
0x9f: {  	[timem:s9], [sflag:s22] =	dma.local [hbm:s7], s20  }
0xa0: {  	_ =	swait.ge [sflag:s22], s20  }
0xa1: {  	s6 =	ssub.s32 $0x0, s20;
	[sflag:s22] =	ssyncset.done $0x0  }
0xa2: {  	[sflag:s22] =	ssyncadd.s32 s6;
	_ =	sdelay $0x1  }
0xa3: {  	s23 =	simm.s32 $0x1B8B  }
0xa4: {  	_ =	swait.ge [sflag:s23], $0x1  }
0xa5: {  	[sflag:s23] =	ssyncset.done $0x0  }
0xa6: {  	s25 =	simm.s32 $0x1B8E;
	s24 =	sld [smem:$0x3FFE];
	[sflag:s23] =	ssyncadd.s32 $0xFFFFFFFF  }
0xa7: {  	s26 =	simm.s32 $execute0_lowered;
	[smem:$0x3FD2] =	sst s25  }
0xa8: {  	s7 =	sshll.u32 s26, $0x1;
	_ =	strace $0x80000046;
	[dreg:$0x1] =	wrdreg $0xFFFFFFFF  }
0xa9: {  	s28 =	simm.s32 $_size_execute0_lowered;
	s5 =	sadd.s32 s5, s7;
	[dreg:$0x0] =	wrdreg $0x0  }
0xaa: {  	s7 =	sshll.u32 s28, $0x1;
	[dreg:$0x2] =	wrdreg s5  }
0xab: {  	[dreg:$0x3] =	wrdreg s7  }
0xac: {  	[dreg:$0x4] =	wrdreg $0xC0  }
0xad: {  	_ =	task [dreg:s9], $0x5FFFF  }
0xae: {  	[dreg:$0x1] =	wrdreg $0xFFFFFFFF  }
0xaf: {  	[dreg:$0x0] =	wrdreg $0x60  }
0xb0: {  	[dreg:$0x2] =	wrdreg s18  }
0xb1: {  	[dreg:$0x3] =	wrdreg s4  }
0xb2: {  	[dreg:$0x4] =	wrdreg s2  }
0xb3: {  	[dreg:$0x5] =	wrdreg s24  }
0xb4: {  	[dreg:$0x6] =	wrdreg $0x9  }
0xb5: {  	_ =	task.clear_ibuf [dreg:s9], $0x7FFFF;
	_ =	strace $0x90000046  }
0xb6: {  	s29 =	simm.s32 $0x9;
	_ =	strace $0x80000048  }
0xb7: {  	_ =	swait.ge [sflag:s29], $0x1  }
0xb8: {  	[sflag:s29] =	ssyncadd.s32 $0xFFFFFFFF  }
0xb9: {  	_ =	strace $0x90000048  }
0xba: {  	_ =	sfence  }
0xbb: {  	s30 =	sld [smem:$0x0];
	_ =	sdelay $0x2  }
0xbc: {  	s31 =	sshll.u32 s1, $0xD;
	s1 =	sshrl.u32 s1, $0x2  }
0xbd: {  	s3 =	sand.u32 $0x4000, s31;
	s1 =	sadd.s32 s1, s30  }
0xbe: {  	s0 =	sor.u32 s3, s0;
	s1 =	sshll.u32 s1, $0x11  }
0xbf: {  	s0 =	sor.u32 s1, s0  }
0xc0: {  	s0 =	sadd.s32 $0x8F2B, s0  }
0xc1: {  	[sflag:s0] =	ssyncadd.remote.s32 $0x1  }
0xc2: {  	_ =	sfence.sel $0xFFFF  }
0xc3: {  	[dreg:$0x0] =	wrdreg $0xFFFFFFFF;
	(pc) =	sbr.abs _section_cstart, $3  }
0xc4: {  	[dreg:$0x1] =	wrdreg $0xFFFFFFFF  }
0xc5: {  	_ =	task.clear_ibuf [dreg:s9], $0x2FFFF;
	_ =	strace $0x9FFFFFFF  }
0xc6: {  	(tm) =	ssettm $0x7FFFFFFF  }
0xc7: {  	_ =	shalt  }
tec
execute0_lowered:
.L_overlay_start_1:
0x0: {  	(tag) =	ssettag $0x1  }
0x1: {  	s1 =	rddreg [dreg:$0x0]  }
0x2: {  	s2 =	rddreg [dreg:$0x1]  }
0x3: {  	s3 =	rddreg [dreg:$0x2]  }
0x4: {  	s0 =	rddreg [dreg:$0x3];
	s4 =	srdreg.scid;
	s5 =	simm.s32 $0x0  }
0x5: {  	s8 =	stileid.u32;
	s10 =	simm.s32 $0x400;
	s11 =	simm.s32 $0x3100  }
0x6: {  	s12 =	simm.s32 $0x6200;
	s13 =	simm.s32 $0x9300;
	s14 =	simm.s32 $0xC400  }
0x7: {  	s15 =	simm.s32 $0xF500;
	s16 =	simm.s32 $0x12600;
	s17 =	simm.s32 $0x15700  }
0x8: {  	s18 =	simm.s32 $0x18680;
	s19 =	simm.s32 $0x18700;
	s20 =	simm.s32 $0x3  }
0x9: {  	s21 =	simm.s32 $0x1;
	s22 =	simm.s32 $0x2;
	s4 =	sand.u32 $0x1, s4  }
0xa: {  	s23 =	simm.s32 $0x0;
	[smem:$0x7FF] =	sst s5;
	s6 =	ssub.s32 $0x2, s4  }
0xb: {  	s8 =	sshll.u32 s8, $0x1;
	_ =	strace $0x80000047;
	s7 =	sshrl.u32 s6, $0x1  }
0xc: {  	s4 =	sor.u32 s4, s8;
	s9 =	ssub.s32 s6, s7;
	s6 =	sadd.s32 $0x1200, s0  }
0xd: {  	s7 =	smul.u32 $0x1A, s4;
	s8 =	smax.u32 s9, $0x1;
	s9 =	simm.s32 $0x80  }
.LBB2_1:
0xe: {  	s24 =	simm.s32 $0x0  }
.LBB2_2:
0xf: {  	s25 =	sadd.s32 s7, s24  }
0x10: {  	s0 =	sshrl.u32 s25, $0x3  }
0x11: {  	s4 =	sshll.u32 s25, $0x7;
	s0 =	smul.u32 $0xC3800, s0  }
0x12: {  	s4 =	sand.u32 $0x380, s4  }
0x13: {  	s0 =	sor.u32 s4, s0  }
0x14: {  	s4 =	sshrl.u32 s0, $0x3  }
0x15: {  	s30 =	sadd.s32 $0x18800, s0;
	s4 =	sadd.s32 s1, s4  }
0x16: {  	[tilespmem:s5], [sflag:$0x1] =	stream.strided.gather [hbm4b:s4+s9], $0x3100, s10, s9, $0x38;
	[tilespmem:$0x1E700] =	vst v63  }
0x17: {  	s4 =	sshrl.u32 s30, $0x3  }
0x18: {  	s31 =	sadd.s32 $0x31000, s0;
	s4 =	sadd.s32 s1, s4  }
0x19: {  	[tilespmem:s11], [sflag:$0x1] =	stream.strided.gather [hbm4b:s4+s9], $0x3100, s10, s9, $0x38;
	[tilespmem:$0x1E700] =	vst v63  }
0x1a: {  	s4 =	sshrl.u32 s31, $0x3  }
0x1b: {  	s26 =	sadd.s32 $0x49800, s0;
	s4 =	sadd.s32 s1, s4  }
0x1c: {  	[tilespmem:s12], [sflag:$0x1] =	stream.strided.gather [hbm4b:s4+s9], $0x3100, s10, s9, $0x38;
	[tilespmem:$0x1E700] =	vst v63  }
0x1d: {  	s4 =	sshrl.u32 s26, $0x3  }
0x1e: {  	s29 =	sadd.s32 $0x62000, s0;
	s4 =	sadd.s32 s1, s4  }
0x1f: {  	[tilespmem:s13], [sflag:$0x1] =	stream.strided.gather [hbm4b:s4+s9], $0x3100, s10, s9, $0x38;
	[tilespmem:$0x1E700] =	vst v63  }
0x20: {  	s4 =	sshrl.u32 s29, $0x3  }
0x21: {  	s30 =	sadd.s32 $0x7A800, s0;
	s4 =	sadd.s32 s1, s4  }
0x22: {  	[tilespmem:s14], [sflag:$0x1] =	stream.strided.gather [hbm4b:s4+s9], $0x3100, s10, s9, $0x38;
	[tilespmem:$0x1E700] =	vst v63  }
0x23: {  	s4 =	sshrl.u32 s30, $0x3  }
0x24: {  	s31 =	sadd.s32 $0x93000, s0;
	s4 =	sadd.s32 s1, s4  }
0x25: {  	[tilespmem:s15], [sflag:$0x1] =	stream.strided.gather [hbm4b:s4+s9], $0x3100, s10, s9, $0x38;
	[tilespmem:$0x1E700] =	vst v63  }
0x26: {  	s0 =	sadd.s32 $0xAB800, s0;
	s4 =	sshrl.u32 s31, $0x3  }
0x27: {  	s0 =	sshrl.u32 s0, $0x3;
	s4 =	sadd.s32 s1, s4  }
0x28: {  	[tilespmem:s16], [sflag:$0x1] =	stream.strided.gather [hbm4b:s4+s9], $0x3100, s10, s9, $0x38;
	[tilespmem:$0x1E700] =	vst v63  }
0x29: {  	s0 =	sadd.s32 s1, s0;
	s26 =	sshll.u32 s25, $0x2  }
0x2a: {  	[tilespmem:s17], [sflag:$0x1] =	stream.strided.gather [hbm4b:s0+s9], $0x2F80, s10, s9, $0x38;
	[tilespmem:$0x1E700] =	vst v63  }
0x2b: {  	s0 =	sand.u32 $0x1FFFFFF0, s26  }
0x2c: {  	s0 =	sadd.s32 s2, s0  }
0x2d: {  	[tilespmem:s18], [sflag:$0x1] =	stream.linear.gather [hbm4b:s0+s5], $0x80, $0x38;
	[tilespmem:$0x1E700] =	vst v63  }
0x2e: {  	p0 =	seq.s32 s24, $0x0;
	s0 =	sand.u32 $0x1F, s25  }
0x2f: {  	p1 =	sne.s32 @!p0 s0, $0x0  }
0x30: {  	p0 =	por p0, !p1  }
0x31: {  	s0 =	sshrl.u32 @p0 s25, $0x1  }
0x32: {  	s4 =	sshll.u32 @p0 s25, $0x6;
	s0 =	sand.u32 @p0 $0x70, s0  }
0x33: {  	s4 =	sand.u32 @p0 $0xFFFC000, s4;
	s0 =	sadd.s32 @p0 s3, s0  }
0x34: {  	s0 =	sadd.s32 @p0 s4, s0  }
0x35: {  	[tilespmem:s19], [sflag:$0x3] =	stream.strided.gather @p0 [hbm4b:s0+s9], $0x4000, s10, s9, $0x38;
	[tilespmem:$0x1E700] =	vst v63  }
0x36: {  	_ =	swait.ge @p0 [sflag:s20], $0x4000  }
0x37: {  	[sflag:s20] =	ssyncset.done @p0 $0x0  }
0x38: {  	[sflag:s20] =	ssyncadd.s32 @p0 $0xFFFFC000  }
0x39: {  	_ =	swait.ge [sflag:s21], $0x3100  }
0x3a: {  	[sflag:s21] =	ssyncset.done $0x0  }
0x3b: {  	[sflag:s21] =	ssyncadd.s32 $0xFFFFCF00  }
0x3c: {  	_ =	swait.ge [sflag:s21], $0x3100  }
0x3d: {  	[sflag:s21] =	ssyncset.done $0x0  }
0x3e: {  	[sflag:s21] =	ssyncadd.s32 $0xFFFFCF00  }
0x3f: {  	_ =	swait.ge [sflag:s21], $0x3100  }
0x40: {  	[sflag:s21] =	ssyncset.done $0x0  }
0x41: {  	[sflag:s21] =	ssyncadd.s32 $0xFFFFCF00  }
0x42: {  	_ =	swait.ge [sflag:s21], $0x3100  }
0x43: {  	[sflag:s21] =	ssyncset.done $0x0  }
0x44: {  	[sflag:s21] =	ssyncadd.s32 $0xFFFFCF00  }
0x45: {  	_ =	swait.ge [sflag:s21], $0x3100  }
0x46: {  	[sflag:s21] =	ssyncset.done $0x0  }
0x47: {  	[sflag:s21] =	ssyncadd.s32 $0xFFFFCF00  }
0x48: {  	_ =	swait.ge [sflag:s21], $0x3100  }
0x49: {  	[sflag:s21] =	ssyncset.done $0x0  }
0x4a: {  	[sflag:s21] =	ssyncadd.s32 $0xFFFFCF00  }
0x4b: {  	_ =	swait.ge [sflag:s21], $0x3100  }
0x4c: {  	[sflag:s21] =	ssyncset.done $0x0  }
0x4d: {  	[sflag:s21] =	ssyncadd.s32 $0xFFFFCF00  }
0x4e: {  	_ =	swait.ge [sflag:s21], $0x2F80  }
0x4f: {  	[sflag:s21] =	ssyncset.done $0x0  }
0x50: {  	[sflag:s21] =	ssyncadd.s32 $0xFFFFD080  }
0x51: {  	_ =	swait.ge [sflag:s21], $0x80  }
0x52: {  	s29 =	sshll.u32 s25, $0x5;
	[sflag:s21] =	ssyncset.done $0x0  }
0x53: {  	s0 =	sand.u32 $0x60, s29;
	[sflag:s21] =	ssyncadd.s32 $0xFFFFFF80  }
0x54: {  	v0 =	vld [tilespmem:s0+$0x18680]  }
0x55: {  	v1 =	vld [tilespmem:s0+$0x18690];
	_ =	sdelay $0x1  }
0x56: {  	s30 =	sshll.u32 s25, $0xB  }
0x57: {  	s31 =	sshll.u32 s25, $0x4;
	s0 =	sand.u32 $0xFFFC000, s30  }
0x58: {  	s28 =	simm.s32 $0x18740;
	s4 =	sand.u32 $0x70, s31;
	s0 =	sadd.s32 s6, s0;
	[tilespmem:$0x18680] =	vst v0  }
0x59: {  	s26 =	simm.s32 $0x0;
	p0 =	por $0x0, $0x0;
	s25 =	sadd.s32 s4, s0;
	[tilespmem:$0x18690] =	vst v1  }
.LBB2_3:
0x5a: {  	v0 =	vld [tilespmem:s28+$0x30]  }
0x5b: {  	v1 =	vld [tilespmem:s28+$0xFFFFFFD0]  }
0x5c: {  	v2 =	vld [tilespmem:s28+$0xFFFFFFE0]  }
0x5d: {  	v3 =	vld [tilespmem:s28+$0xFFFFFFF0]  }
0x5e: {  	v5 =	vld [tilespmem:s28+$0x0]  }
0x5f: {  	v6 =	vld [tilespmem:s28+$0x10]  }
0x60: {  	v7 =	vld [tilespmem:s28+$0x20]  }
0x61: {  	v8 =	vld [tilespmem:s28+$0xFFFFFFC0]  }
0x62: {  	v9 =	vld.idx.msk [tilespmem:v0+s5+$0x0], $0xffff  }
0x63: {  	v10 =	vld.idx.msk [tilespmem:v1+s5+$0x0], $0xffff  }
0x64: {  	s0 =	simm.s32 $0x1;
	v4 =	vld.idx.msk [tilespmem:v2+s5+$0x0], $0xffff  }
0x65: {  	s0 =	simm.s32 @!p0 $0x0;
	v0 =	vld.idx.msk [tilespmem:v3+s5+$0x0], $0xffff  }
0x66: {  	s0 =	sshll.u32 s0, $0x7;
	v1 =	vld.idx.msk [tilespmem:v5+s5+$0x0], $0xffff  }
0x67: {  	s30 =	sor.u32 $0x1C740, s0;
	v2 =	vld.idx.msk [tilespmem:v6+s5+$0x0], $0xffff  }
0x68: {  	v3 =	vld.idx.msk [tilespmem:v7+s5+$0x0], $0xffff;
	[tilespmem:s30+$0x30] =	vst v9  }
0x69: {  	s31 =	simm.s32 $0x0;
	s29 =	sor.u32 $0x1C700, s0;
	s0 =	sadd.s32 $0x80, s28;
	v5 =	vld.idx.msk [tilespmem:v8+s5+$0x0], $0xffff;
	[tilespmem:s30+$0xFFFFFFD0] =	vst v10  }
.LBB2_4:
0x6a: {  	v6 =	vld [tilespmem:s0+$0x30];
	s31 =	sadd.s32 $0x8, s31;
	[tilespmem:s30+$0xFFFFFFE0] =	vst v4  }
0x6b: {  	v4 =	vld [tilespmem:s0+$0xFFFFFFD0];
	p1 =	slt.u32 s31, $0xF8;
	[tilespmem:s30+$0xFFFFFFF0] =	vst v0  }
0x6c: {  	v0 =	vld [tilespmem:s0+$0xFFFFFFE0];
	[tilespmem:s30+$0x0] =	vst v1  }
0x6d: {  	v1 =	vld [tilespmem:s0+$0xFFFFFFF0];
	[tilespmem:s30+$0x10] =	vst v2  }
0x6e: {  	v2 =	vld [tilespmem:s0+$0x0];
	[tilespmem:s30+$0x20] =	vst v3  }
0x6f: {  	v3 =	vld [tilespmem:s0+$0x10];
	[tilespmem:s30+$0xFFFFFFC0] =	vst v5  }
0x70: {  	v5 =	vld [tilespmem:s0+$0x20]  }
0x71: {  	v7 =	vld [tilespmem:s0+$0xFFFFFFC0]  }
0x72: {  	v6 =	vld.idx.msk [tilespmem:v6+s5+$0x0], $0xffff  }
0x73: {  	v8 =	vld.idx.msk [tilespmem:v4+s5+$0x0], $0xffff  }
0x74: {  	v4 =	vld.idx.msk [tilespmem:v0+s5+$0x0], $0xffff  }
.Ltmp0:
0x75: {  	v0 =	vld.idx.msk [tilespmem:v1+s5+$0x0], $0xffff;
	(pc) =	sbr.rel @p1 .LBB2_4-.Ltmp0, $4  }
0x76: {  	v1 =	vld.idx.msk [tilespmem:v2+s5+$0x0], $0xffff  }
0x77: {  	s30 =	sadd.s32 $0x100, s30;
	v2 =	vld.idx.msk [tilespmem:v3+s5+$0x0], $0xffff  }
0x78: {  	v3 =	vld.idx.msk [tilespmem:v5+s5+$0x0], $0xffff;
	[tilespmem:s30+$0x30] =	vst v6  }
0x79: {  	s0 =	sadd.s32 $0x80, s0;
	v5 =	vld.idx.msk [tilespmem:v7+s5+$0x0], $0xffff;
	[tilespmem:s30+$0xFFFFFFD0] =	vst v8  }
0x7a: {  	[tilespmem:s30+$0xFFFFFFE0] =	vst v4  }
0x7b: {  	[tilespmem:s30+$0xFFFFFFF0] =	vst v0  }
0x7c: {  	[tilespmem:s30+$0x0] =	vst v1  }
0x7d: {  	[tilespmem:s30+$0x10] =	vst v2  }
0x7e: {  	p1 =	slt.u32 s26, $0x2;
	[tilespmem:s30+$0x20] =	vst v3  }
0x7f: {  	s0 =	simm.s32 @!p1 $0x2;
	[tilespmem:s30+$0xFFFFFFC0] =	vst v5  }
0x80: {  	_ =	swait.ge @!p1 [sflag:s0], $0x1000  }
0x81: {  	s4 =	sshll.u32 s26, $0xC;
	[sflag:s0] =	ssyncset.done @!p1 $0x0  }
0x82: {  	[sflag:s0] =	ssyncadd.s32 @!p1 $0xFFFFF000;
	s0 =	sadd.s32 s4, s25  }
0x83: {  	s31 =	sadd.s32 $0x100, s29;
	s30 =	simm.s32 $0x80;
	s4 =	sadd.s32 $0x0, s0  }
.LBB2_6:
0x84: {  	[hbm4b:s4+s5] =	stream.linear.scatter [tilespmem:s29], [sflag:$0x2], $0x80, $0x38;
	[tilespmem:$0x1E700] =	vst v63  }
0x85: {  	s4 =	smov.u32 s30;
	s29 =	smov.u32 s31;
	p1 =	sne.s32 s30, $0xF80  }
.Ltmp1:
0x86: {  	s30 =	sadd.s32 $0x80, s30;
	(pc) =	sbr.rel @p1 .LBB2_6-.Ltmp1, $2  }
0x87: {  	_ =	sdelay $0x2  }
0x88: {  	s31 =	sadd.s32 $0x100, s31;
	s4 =	sadd.s32 s4, s0  }
0x89: {  	s26 =	sadd.s32 $0x1, s26  }
0x8a: {  	p1 =	sne.s32 s26, $0x4  }
.Ltmp2:
0x8b: {  	_ = 	snop;
	(pc) =	sbr.rel @p1 .LBB2_3-.Ltmp2, $3  }
0x8c: {  	_ =	sdelay $0x1  }
0x8d: {  	[hbm4b:s4+s5] =	stream.linear.scatter [tilespmem:s29], [sflag:$0x2], $0x80, $0x38;
	[tilespmem:$0x1E700] =	vst v63  }
0x8e: {  	s28 =	sadd.s32 $0x1000, s28;
	p0 =	por !p0, !p0  }
0x8f: {  	s24 =	sadd.s32 $0x1, s24  }
0x90: {  	_ =	swait.ge [sflag:s22], $0x1000;
	p0 =	sne.s32 s24, $0x1A  }
.Ltmp3:
0x91: {  	[sflag:s22] =	ssyncset.done $0x0;
	(pc) =	sbr.rel @p0 .LBB2_2-.Ltmp3, $4  }
0x92: {  	[sflag:s22] =	ssyncadd.s32 $0xFFFFF000  }
0x93: {  	_ =	swait.ge [sflag:s22], $0x1000  }
0x94: {  	[sflag:s22] =	ssyncset.done $0x0  }
0x95: {  	[sflag:s22] =	ssyncadd.s32 $0xFFFFF000  }
0x96: {  	s23 =	sadd.s32 $0x1, s23  }
0x97: {  	p0 =	sne.s32 s23, s8  }
.Ltmp4:
0x98: {  	_ = 	snop;
	(pc) =	sbr.rel @p0 .LBB2_1-.Ltmp4, $1  }
0x99: {  	_ =	sdelay $0x3  }
0x9a: {  	_ =	sfence.sel $0x180000  }
0x9b: {  	[bflag:$0x0] =	sbarrier.arrive $0xFFFF  }
0x9c: {  	_ =	strace $0x90000047  }
0x9d: {  	s0 =	stileid.u32;
	[bflag:$0x2] =	sbarrier.arrive $0xFFFF  }
0x9e: {  	p0 =	sne.s32 s0, $0x0;
	s0 =	rddreg [dreg:$0x4]  }
0x9f: {  	s0 =	sadd.s32 @!p0 $0x100000, s0  }
0xa0: {  	[sflag:s0] =	ssyncadd.tile.s32 @!p0 $0x1;
	_ =	shalt  }
.Lfunc_end2:
_tile_overlayer_lowered:
.L_overlay_start_2:
0xa1: {  	(tag) =	ssettag $0x2  }
0xa2: {  	s0 =	rddreg [dreg:$0x0];
	s2 =	stileid.u32  }
0xa3: {  	s1 =	rddreg [dreg:$0x1];
	p0 =	sne.s32 s2, $0x0  }
0xa4: {  	s3 =	rddreg [dreg:$0x2];
	[bflag:$0x3] =	sbarrier.arrive $0xFFFF;
	s2 =	simm.s32 @!p0 $0x1C03  }
0xa5: {  	[timem:s3], [sflag:s2] =	dma.local @!p0 [hbm:s0], s1  }
0xa6: {  	s0 =	simm.s32 @!p0 $0x3  }
0xa7: {  	_ =	swait.ge @!p0 [sflag:s0], s1  }
0xa8: {  	s1 =	ssub.s32 @!p0 $0x0, s1;
	[sflag:s0] =	ssyncset.done @!p0 $0x0  }
0xa9: {  	[sflag:s0] =	ssyncadd.s32 @!p0 s1  }
0xaa: {  	[bflag:$0x3] =	sbarrier.arrive $0xFFFF  }
0xab: {  	_ =	shalt  }

</sc_bundles>
